<compile_context>
chip_gen: v7x
topology: tpu7x:2x2x1
jax: 0.10.2.dev20260603
libtpu: 0.0.44.dev20260713+nightly
codegen_flags: <defaults>
</compile_context>

<pallas_src>
import functools

import jax
import jax.numpy as jnp
from jax import lax
from jax.experimental import pallas as pl
from jax.experimental.pallas import tpu as pltpu
from jax.experimental.pallas import tpu_sc as plsc

D = 64
N = 100
VMIN = -5.0
VMAX = 5.0
INT_LEN = (VMAX - VMIN) / (N - 1)
INV_H = 1.0 / INT_LEN
B = 16384
TBL = 128
LANES = 16
CB = 8192

_HI = jax.lax.Precision.HIGHEST


def _tc_kernel(epsT_ref, a_ref, pb_ref, zT_ref, w_ref, c_ref, m_ref):
    @pl.when(pl.program_id(0) == 0)
    def _prep():
        a = a_ref[...]
        eye = (lax.broadcasted_iota(jnp.int32, (D, D), 0)
               == lax.broadcasted_iota(jnp.int32, (D, D), 1)
               ).astype(jnp.float32)
        acc = eye + a
        t = jnp.dot(a, a, precision=_HI, preferred_element_type=jnp.float32)
        for _ in range(6):
            acc = acc + jnp.dot(acc, t, precision=_HI,
                                preferred_element_type=jnp.float32)
            t = jnp.dot(t, t, precision=_HI,
                        preferred_element_type=jnp.float32)
        m_ref[...] = acc
        pb = pb_ref[...]
        w = jnp.exp(pb) + 0.001
        w_ref[...] = w
        b_col = pb[:, N + 1:N + 2]
        jj = lax.broadcasted_iota(jnp.int32, (TBL, TBL), 0)
        ii = lax.broadcasted_iota(jnp.int32, (TBL, TBL), 1)
        tri = ((jj >= 1) & (jj <= ii - 1)).astype(jnp.float32)
        db_prev = b_col + INT_LEN * jnp.dot(
            w, tri, precision=_HI, preferred_element_type=jnp.float32)
        k = lax.broadcasted_iota(jnp.int32, (1, TBL), 1)
        pts_prev = VMIN + INT_LEN * jnp.maximum(k - 1, 0).astype(jnp.float32)
        c_ref[...] = db_prev - pts_prev * w

    zT_ref[...] = lax.dot_general(
        m_ref[...], epsT_ref[...], (((0,), (0,)), ((), ())),
        preferred_element_type=jnp.float32)


def _make_sc_pwl(num_cores, num_subcores):
    nw = num_cores * num_subcores
    dpw = D // nw
    nh = 2
    half = B // nh
    chunks = [(dd, h) for dd in range(dpw) for h in range(nh)]
    nch = len(chunks)

    @functools.partial(
        pl.kernel,
        out_type=jax.ShapeDtypeStruct((D, B), jnp.float32),
        mesh=plsc.VectorSubcoreMesh(core_axis_name="c", subcore_axis_name="s"),
        compiler_params=pltpu.CompilerParams(needs_layout_passes=False),
        scratch_types=[
            pltpu.VMEM((2, half), jnp.float32),
            pltpu.VMEM((2, half), jnp.float32),
            pltpu.VMEM((D * TBL,), jnp.float32),
            pltpu.VMEM((D * TBL,), jnp.float32),
            pltpu.SemaphoreType.DMA,
            pltpu.SemaphoreType.DMA,
            pltpu.SemaphoreType.DMA,
            pltpu.SemaphoreType.DMA,
        ],
    )
    def sc_pwl(z_hbm, w_hbm, c_hbm, out_hbm, z_v, o_v, w_v, c_v,
               is0, is1, os0, os1):
        wid = lax.axis_index("s") * num_cores + lax.axis_index("c")
        base = wid * dpw
        isems, osems = [is0, is1], [os0, os1]

        def in_copy(k):
            dd, h = chunks[k]
            return pltpu.make_async_copy(
                z_hbm.at[base + dd, pl.ds(h * half, half)],
                z_v.at[k % 2], isems[k % 2])

        def out_copy(k):
            dd, h = chunks[k]
            return pltpu.make_async_copy(
                o_v.at[k % 2],
                out_hbm.at[base + dd, pl.ds(h * half, half)], osems[k % 2])

        in_copy(0).start()
        pltpu.sync_copy(w_hbm, w_v)
        pltpu.sync_copy(c_hbm, c_v)

        for k in range(nch):
            if k + 1 < nch:
                in_copy(k + 1).start()
            in_copy(k).wait()
            if k >= 2:
                out_copy(k - 2).wait()
            dd, _ = chunks[k]
            dbase = (base + dd) * TBL
            slot = k % 2

            @plsc.parallel_loop(0, half // LANES, unroll=8)
            def body(i):
                off = i * LANES
                zz = z_v[slot, pl.ds(off, LANES)]
                t = jnp.minimum(
                    jnp.maximum(zz * INV_H + (1.0 - VMIN * INV_H), 0.0),
                    float(N))
                gi = t.astype(jnp.int32) + dbase
                w = plsc.load_gather(w_v, [gi])
                c = plsc.load_gather(c_v, [gi])
                o_v[slot, pl.ds(off, LANES)] = zz * w + c

            out_copy(k).start()

        out_copy(nch - 2).wait()
        out_copy(nch - 1).wait()

    return sc_pwl


def kernel(eps, A, b, p, points):
    del points
    pb = jnp.concatenate(
        [p, b[:, None], jnp.zeros((D, TBL - N - 2), jnp.float32)], axis=1)
    epsT = eps.T

    nb = B // CB
    zT, wtab, ctab = pl.pallas_call(
        _tc_kernel,
        grid=(nb,),
        in_specs=[
            pl.BlockSpec((D, CB), lambda i: (0, i)),
            pl.BlockSpec((D, D), lambda i: (0, 0)),
            pl.BlockSpec((D, TBL), lambda i: (0, 0)),
        ],
        out_specs=[
            pl.BlockSpec((D, CB), lambda i: (0, i)),
            pl.BlockSpec((D, TBL), lambda i: (0, 0)),
            pl.BlockSpec((D, TBL), lambda i: (0, 0)),
        ],
        out_shape=[
            jax.ShapeDtypeStruct((D, B), jnp.float32),
            jax.ShapeDtypeStruct((D, TBL), jnp.float32),
            jax.ShapeDtypeStruct((D, TBL), jnp.float32),
        ],
        scratch_shapes=[pltpu.VMEM((D, D), jnp.float32)],
    )(epsT, A, pb)

    info = plsc.get_sparse_core_info()
    sc_pwl = _make_sc_pwl(info.num_cores, info.num_subcores)
    outT = sc_pwl(zT, wtab.reshape(D * TBL), ctab.reshape(D * TBL))
    return outT.T

# --- scband reference (transcript-rebuilt; emitter-appended) ---
"""Pipeline reference for scband-scm-9440338116749 (READ-ONLY COPY).

The authoritative reference and input builder live on the scoring server;
editing this copy changes nothing except your own understanding.
"""

import jax, jax.numpy as jnp
import numpy as np

D = 64
N = 100
VMIN = -5.0
VMAX = 5.0
INT_LEN = (VMAX - VMIN) / (N - 1)
B = 16384


def _to_positive(x):
    return jnp.exp(x) + 0.001


def setup_inputs(seed: int = 0) -> dict:
    key = jax.random.key(seed)
    k1, k2, k3, k4 = jax.random.split(key, 4)
    eps = jax.random.normal(k1, (B, D), dtype=jnp.float32)
    # A initialized small so (I - A) is well-conditioned / invertible
    A = 0.01 * jax.random.normal(k2, (D, D), dtype=jnp.float32)
    # per-dim PWL params: b ~ randn + vmin, p ~ randn/5 of size n+1
    b = jax.random.normal(k3, (D,), dtype=jnp.float32) + VMIN
    p = jax.random.normal(k4, (D, N + 1), dtype=jnp.float32) / 5.0
    points = jnp.asarray(np.linspace(VMIN, VMAX, N).astype('float32'))
    return {"eps": eps, "A": A, "b": b, "p": p, "points": points}


def _prior_nlr(z, b, p, points):
    # vectorized InvertiblePWL.forward over all d dims
    d = z.shape[1]
    n = points.shape[0]
    # delta_h = int_length * to_positive(p[1:n]).detach()
    delta_h = INT_LEN * jax.lax.stop_gradient(_to_positive(p[:, 1:n]))  # [d, n-1]
    # delta_bias[0] = b; delta_bias[i+1] = delta_bias[i] + delta_h[i]
    delta_bias = b[:, None] + jnp.concatenate(
        [jnp.zeros((d, 1), dtype=z.dtype), jnp.cumsum(delta_h, axis=1)], axis=1
    )  # [d, n]
    # index = sum((eps - points >= 0)) per element  (histogram binning)
    index = jnp.sum((z[:, :, None] - points[None, None, :]) >= 0, axis=2).astype(jnp.int32)  # [B, d] in [0, n]
    start_idx = jnp.maximum(index - 1, 0)  # [B, d]
    cols = jnp.arange(d)[None, :]
    db_sel = delta_bias[cols, start_idx]  # [B, d]
    start_pts = jax.lax.stop_gradient(points[start_idx])  # [B, d]
    w = _to_positive(p[cols, index])  # [B, d]
    return (z - start_pts) * w + db_sel


def reference(eps, A, b, p, points):
    # SCM.forward with eps given: z = eps @ inv(I - A); out = prior_nlr(z)
    eye = jnp.eye(A.shape[0], dtype=A.dtype)
    adj_normalized = jnp.linalg.inv(eye - A)
    z = jnp.matmul(eps, adj_normalized)
    return _prior_nlr(z, b, p, points)

if __name__ == "__main__":
    import jax
    _d = setup_inputs()
    print(jax.jit(kernel)(*tuple(_d.values())))

</pallas_src>

<mosaic_0001>
#map = affine_map<(d0, d1) -> (0, 0)>
#map1 = affine_map<(d0, d1) -> (0)>
module attributes {stable_mosaic.version = 14 : i64} {
  func.func @sc_pwl(%arg0: i32, %arg1: i32, %arg2: memref<64x16384xf32, #tpu.memory_space<hbm>>, %arg3: memref<8192xf32, #tpu.memory_space<hbm>>, %arg4: memref<8192xf32, #tpu.memory_space<hbm>>, %arg5: memref<64x16384xf32, #tpu.memory_space<hbm>>, %arg6: memref<2x8192xf32, #tpu.memory_space<vmem>>, %arg7: memref<2x8192xf32, #tpu.memory_space<vmem>>, %arg8: memref<8192xf32, #tpu.memory_space<vmem>>, %arg9: memref<8192xf32, #tpu.memory_space<vmem>>, %arg10: memref<!tpu.dma_semaphore, #tpu.memory_space<semaphore_mem>>, %arg11: memref<!tpu.dma_semaphore, #tpu.memory_space<semaphore_mem>>, %arg12: memref<!tpu.dma_semaphore, #tpu.memory_space<semaphore_mem>>, %arg13: memref<!tpu.dma_semaphore, #tpu.memory_space<semaphore_mem>>) attributes {dimension_semantics = [#tpu.dimension_semantics<core_parallel>, #tpu.dimension_semantics<subcore_parallel>], iteration_bounds = array<i64: 2, 16>, scalar_prefetch = 0 : i64, scratch_operands = 8 : i64, tpu.core_type = #tpu.core_type<sc_vector_subcore>, window_params = [{transform_indices = #map}, {transform_indices = #map1}, {transform_indices = #map1}, {transform_indices = #map}]} {
    %mul3A = arith.constant 2 : i32
    %mul3A_0 = arith.muli %arg1, %mul3A : i32
    %add3A = arith.addi %mul3A_0, %arg0 : i32
    %mul3A_1 = arith.constant 2 : i32
    %mul3A_2 = arith.muli %add3A, %mul3A_1 : i32
    %add3A_3 = arith.constant 0 : i32
    %add3A_4 = arith.addi %mul3A_2, %add3A_3 : i32
    %dma_start3A = arith.constant 0 : i32
    %dma_start3A_5 = arith.constant 0 : i32
    %dma_start3A_6 = tpu.memref_slice %arg6[%dma_start3A, %dma_start3A_5] : memref<2x8192xf32, #tpu.memory_space<vmem>> -> memref<1x8192xf32, #tpu.memory_space<vmem>>
    %dma_start3A_7 = tpu.memref_squeeze %dma_start3A_6 : memref<1x8192xf32, #tpu.memory_space<vmem>> -> memref<8192xf32, #tpu.memory_space<vmem>>
    %dma_start3A_8 = arith.constant 0 : i32
    %dma_start3A_9 = tpu.memref_slice %arg2[%add3A_4, %dma_start3A_8] : memref<64x16384xf32, #tpu.memory_space<hbm>> -> memref<1x8192xf32, #tpu.memory_space<hbm>>
    %dma_start3A_10 = tpu.memref_squeeze %dma_start3A_9 : memref<1x8192xf32, #tpu.memory_space<hbm>> -> memref<8192xf32, #tpu.memory_space<hbm>>
    %dma_start3A_11 = arith.constant 0 : i32
    %dma_start3A_12 = tpu.memref_slice %arg6[%dma_start3A, %dma_start3A_11] : memref<2x8192xf32, #tpu.memory_space<vmem>> -> memref<1x8192xf32, #tpu.memory_space<vmem>>
    %dma_start3A_13 = tpu.memref_squeeze %dma_start3A_12 : memref<1x8192xf32, #tpu.memory_space<vmem>> -> memref<8192xf32, #tpu.memory_space<vmem>>
    %dma_start3A_14 = arith.constant 0 : i32
    %dma_start3A_15 = tpu.memref_slice %arg2[%add3A_4, %dma_start3A_14] : memref<64x16384xf32, #tpu.memory_space<hbm>> -> memref<1x8192xf32, #tpu.memory_space<hbm>>
    %dma_start3A_16 = tpu.memref_squeeze %dma_start3A_15 : memref<1x8192xf32, #tpu.memory_space<hbm>> -> memref<8192xf32, #tpu.memory_space<hbm>>
    tpu.enqueue_dma source(%dma_start3A_16 : memref<8192xf32, #tpu.memory_space<hbm>>) target(%dma_start3A_13 : memref<8192xf32, #tpu.memory_space<vmem>>) target_semaphore(%arg10 : memref<!tpu.dma_semaphore, #tpu.memory_space<semaphore_mem>>)
    "tpu.region"() ({
      %run_scoped3A = tpu.sem_alloc : memref<!tpu.dma_semaphore, #tpu.memory_space<semaphore_mem>>
      tpu.enqueue_dma source(%arg3 : memref<8192xf32, #tpu.memory_space<hbm>>) target(%arg8 : memref<8192xf32, #tpu.memory_space<vmem>>) target_semaphore(%run_scoped3A : memref<!tpu.dma_semaphore, #tpu.memory_space<semaphore_mem>>)
      tpu.wait_dma2 semaphore(%run_scoped3A : memref<!tpu.dma_semaphore, #tpu.memory_space<semaphore_mem>>) src(%arg3 : memref<8192xf32, #tpu.memory_space<hbm>>) dst(%arg8 : memref<8192xf32, #tpu.memory_space<vmem>>)
      tpu.yield
    }) : () -> ()
    "tpu.region"() ({
      %run_scoped3A = tpu.sem_alloc : memref<!tpu.dma_semaphore, #tpu.memory_space<semaphore_mem>>
      tpu.enqueue_dma source(%arg4 : memref<8192xf32, #tpu.memory_space<hbm>>) target(%arg9 : memref<8192xf32, #tpu.memory_space<vmem>>) target_semaphore(%run_scoped3A : memref<!tpu.dma_semaphore, #tpu.memory_space<semaphore_mem>>)
      tpu.wait_dma2 semaphore(%run_scoped3A : memref<!tpu.dma_semaphore, #tpu.memory_space<semaphore_mem>>) src(%arg4 : memref<8192xf32, #tpu.memory_space<hbm>>) dst(%arg9 : memref<8192xf32, #tpu.memory_space<vmem>>)
      tpu.yield
    }) : () -> ()
    %add3A_17 = arith.constant 0 : i32
    %add3A_18 = arith.addi %mul3A_2, %add3A_17 : i32
    %dma_start3A_19 = arith.constant 1 : i32
    %dma_start3A_20 = arith.constant 0 : i32
    %dma_start3A_21 = tpu.memref_slice %arg6[%dma_start3A_19, %dma_start3A_20] : memref<2x8192xf32, #tpu.memory_space<vmem>> -> memref<1x8192xf32, #tpu.memory_space<vmem>>
    %dma_start3A_22 = tpu.memref_squeeze %dma_start3A_21 : memref<1x8192xf32, #tpu.memory_space<vmem>> -> memref<8192xf32, #tpu.memory_space<vmem>>
    %dma_start3A_23 = arith.constant 8192 : i32
    %dma_start3A_24 = tpu.memref_slice %arg2[%add3A_18, %dma_start3A_23] : memref<64x16384xf32, #tpu.memory_space<hbm>> -> memref<1x8192xf32, #tpu.memory_space<hbm>>
    %dma_start3A_25 = tpu.memref_squeeze %dma_start3A_24 : memref<1x8192xf32, #tpu.memory_space<hbm>> -> memref<8192xf32, #tpu.memory_space<hbm>>
    %dma_start3A_26 = arith.constant 0 : i32
    %dma_start3A_27 = tpu.memref_slice %arg6[%dma_start3A_19, %dma_start3A_26] : memref<2x8192xf32, #tpu.memory_space<vmem>> -> memref<1x8192xf32, #tpu.memory_space<vmem>>
    %dma_start3A_28 = tpu.memref_squeeze %dma_start3A_27 : memref<1x8192xf32, #tpu.memory_space<vmem>> -> memref<8192xf32, #tpu.memory_space<vmem>>
    %dma_start3A_29 = arith.constant 8192 : i32
    %dma_start3A_30 = tpu.memref_slice %arg2[%add3A_18, %dma_start3A_29] : memref<64x16384xf32, #tpu.memory_space<hbm>> -> memref<1x8192xf32, #tpu.memory_space<hbm>>
    %dma_start3A_31 = tpu.memref_squeeze %dma_start3A_30 : memref<1x8192xf32, #tpu.memory_space<hbm>> -> memref<8192xf32, #tpu.memory_space<hbm>>
    tpu.enqueue_dma source(%dma_start3A_31 : memref<8192xf32, #tpu.memory_space<hbm>>) target(%dma_start3A_28 : memref<8192xf32, #tpu.memory_space<vmem>>) target_semaphore(%arg11 : memref<!tpu.dma_semaphore, #tpu.memory_space<semaphore_mem>>)
    %add3A_32 = arith.constant 0 : i32
    %add3A_33 = arith.addi %mul3A_2, %add3A_32 : i32
    %dma_wait3A = arith.constant 0 : i32
    %dma_wait3A_34 = arith.constant 0 : i32
    %dma_wait3A_35 = tpu.memref_slice %arg6[%dma_wait3A, %dma_wait3A_34] : memref<2x8192xf32, #tpu.memory_space<vmem>> -> memref<1x8192xf32, #tpu.memory_space<vmem>>
    %dma_wait3A_36 = tpu.memref_squeeze %dma_wait3A_35 : memref<1x8192xf32, #tpu.memory_space<vmem>> -> memref<8192xf32, #tpu.memory_space<vmem>>
    %dma_wait3A_37 = arith.constant 0 : i32
    %dma_wait3A_38 = tpu.memref_slice %arg2[%add3A_33, %dma_wait3A_37] : memref<64x16384xf32, #tpu.memory_space<hbm>> -> memref<1x8192xf32, #tpu.memory_space<hbm>>
    %dma_wait3A_39 = tpu.memref_squeeze %dma_wait3A_38 : memref<1x8192xf32, #tpu.memory_space<hbm>> -> memref<8192xf32, #tpu.memory_space<hbm>>
    %dma_wait3A_40 = arith.constant 0 : i32
    %dma_wait3A_41 = tpu.memref_slice %arg6[%dma_wait3A, %dma_wait3A_40] : memref<2x8192xf32, #tpu.memory_space<vmem>> -> memref<1x8192xf32, #tpu.memory_space<vmem>>
    %dma_wait3A_42 = tpu.memref_squeeze %dma_wait3A_41 : memref<1x8192xf32, #tpu.memory_space<vmem>> -> memref<8192xf32, #tpu.memory_space<vmem>>
    %dma_wait3A_43 = arith.constant 0 : i32
    %dma_wait3A_44 = tpu.memref_slice %arg2[%add3A_33, %dma_wait3A_43] : memref<64x16384xf32, #tpu.memory_space<hbm>> -> memref<1x8192xf32, #tpu.memory_space<hbm>>
    %dma_wait3A_45 = tpu.memref_squeeze %dma_wait3A_44 : memref<1x8192xf32, #tpu.memory_space<hbm>> -> memref<8192xf32, #tpu.memory_space<hbm>>
    tpu.wait_dma2 semaphore(%arg10 : memref<!tpu.dma_semaphore, #tpu.memory_space<semaphore_mem>>) src(%dma_wait3A_45 : memref<8192xf32, #tpu.memory_space<hbm>>) dst(%dma_wait3A_42 : memref<8192xf32, #tpu.memory_space<vmem>>)
    %add3A_46 = arith.constant 0 : i32
    %add3A_47 = arith.addi %mul3A_2, %add3A_46 : i32
    %mul3A_48 = arith.constant 128 : i32
    %mul3A_49 = arith.muli %add3A_47, %mul3A_48 : i32
    %parallel_loop3A = arith.constant 0 : i32
    %parallel_loop3A_50 = arith.constant 512 : i32
    %parallel_loop3A_51 = arith.constant 1 : i32
    scf.for %parallel_loop3A_268 = %parallel_loop3A to %parallel_loop3A_50 step %parallel_loop3A_51  : i32 {
      %parallel_loop3A_269 = arith.constant 16 : i32
      %parallel_loop3A_270 = arith.muli %parallel_loop3A_268, %parallel_loop3A_269 : i32
      %parallel_loop3A_271 = arith.constant 0 : i32
      %parallel_loop3A_272 = arith.index_cast %parallel_loop3A_271 : i32 to index
      %parallel_loop3A_273 = arith.index_cast %parallel_loop3A_270 : i32 to index
      %parallel_loop3A_274 = tpu.vector_load %arg6[%parallel_loop3A_272, %parallel_loop3A_273] {strides = array<i32>} : memref<2x8192xf32, #tpu.memory_space<vmem>>, vector<16xf32>,
      %parallel_loop3A_275 = arith.constant 9.89999961 : f32
      %parallel_loop3A_276 = vector.broadcast %parallel_loop3A_275 : f32 to vector<16xf32>
      %parallel_loop3A_277 = arith.mulf %parallel_loop3A_274, %parallel_loop3A_276 : vector<16xf32>
      %parallel_loop3A_278 = arith.constant 5.050000e+01 : f32
      %parallel_loop3A_279 = vector.broadcast %parallel_loop3A_278 : f32 to vector<16xf32>
      %parallel_loop3A_280 = arith.addf %parallel_loop3A_277, %parallel_loop3A_279 : vector<16xf32>
      %parallel_loop3A_281 = arith.constant 0.000000e+00 : f32
      %parallel_loop3A_282 = vector.broadcast %parallel_loop3A_281 : f32 to vector<16xf32>
      %parallel_loop3A_283 = arith.maximumf %parallel_loop3A_280, %parallel_loop3A_282 : vector<16xf32>
      %parallel_loop3A_284 = arith.constant 1.000000e+02 : f32
      %parallel_loop3A_285 = vector.broadcast %parallel_loop3A_284 : f32 to vector<16xf32>
      %parallel_loop3A_286 = arith.minimumf %parallel_loop3A_283, %parallel_loop3A_285 : vector<16xf32>
      %parallel_loop3A_287 = arith.fptosi %parallel_loop3A_286 : vector<16xf32> to vector<16xi32>
      %parallel_loop3A_288 = vector.broadcast %mul3A_49 : i32 to vector<16xi32>
      %parallel_loop3A_289 = arith.addi %parallel_loop3A_287, %parallel_loop3A_288 : vector<16xi32>
      %parallel_loop3A_290 = tpu.vector_load_idx %arg8[%parallel_loop3A_289] : memref<8192xf32, #tpu.memory_space<vmem>>[vector<16xi32>], vector<16xf32>,
      %parallel_loop3A_291 = tpu.vector_load_idx %arg9[%parallel_loop3A_289] : memref<8192xf32, #tpu.memory_space<vmem>>[vector<16xi32>], vector<16xf32>,
      %parallel_loop3A_292 = arith.mulf %parallel_loop3A_274, %parallel_loop3A_290 : vector<16xf32>
      %parallel_loop3A_293 = arith.addf %parallel_loop3A_292, %parallel_loop3A_291 : vector<16xf32>
      %parallel_loop3A_294 = arith.constant 0 : i32
      %parallel_loop3A_295 = arith.index_cast %parallel_loop3A_294 : i32 to index
      %parallel_loop3A_296 = arith.index_cast %parallel_loop3A_270 : i32 to index
      %parallel_loop3A_297 = tpu.vector_load %arg7[%parallel_loop3A_295, %parallel_loop3A_296] {strides = array<i32>} : memref<2x8192xf32, #tpu.memory_space<vmem>>, vector<16xf32>,
      tpu.vector_store %arg7[%parallel_loop3A_295, %parallel_loop3A_296], %parallel_loop3A_293 {strides = array<i32>} : memref<2x8192xf32, #tpu.memory_space<vmem>>, vector<16xf32>,
    } {sc.loop_unroll_factor = 8 : i64, sc.parallel_access}
    %add3A_52 = arith.constant 0 : i32
    %add3A_53 = arith.addi %mul3A_2, %add3A_52 : i32
    %dma_start3A_54 = arith.constant 0 : i32
    %dma_start3A_55 = arith.constant 0 : i32
    %dma_start3A_56 = tpu.memref_slice %arg7[%dma_start3A_54, %dma_start3A_55] : memref<2x8192xf32, #tpu.memory_space<vmem>> -> memref<1x8192xf32, #tpu.memory_space<vmem>>
    %dma_start3A_57 = tpu.memref_squeeze %dma_start3A_56 : memref<1x8192xf32, #tpu.memory_space<vmem>> -> memref<8192xf32, #tpu.memory_space<vmem>>
    %dma_start3A_58 = arith.constant 0 : i32
    %dma_start3A_59 = tpu.memref_slice %arg5[%add3A_53, %dma_start3A_58] : memref<64x16384xf32, #tpu.memory_space<hbm>> -> memref<1x8192xf32, #tpu.memory_space<hbm>>
    %dma_start3A_60 = tpu.memref_squeeze %dma_start3A_59 : memref<1x8192xf32, #tpu.memory_space<hbm>> -> memref<8192xf32, #tpu.memory_space<hbm>>
    %dma_start3A_61 = arith.constant 0 : i32
    %dma_start3A_62 = tpu.memref_slice %arg5[%add3A_53, %dma_start3A_61] : memref<64x16384xf32, #tpu.memory_space<hbm>> -> memref<1x8192xf32, #tpu.memory_space<hbm>>
    %dma_start3A_63 = tpu.memref_squeeze %dma_start3A_62 : memref<1x8192xf32, #tpu.memory_space<hbm>> -> memref<8192xf32, #tpu.memory_space<hbm>>
    %dma_start3A_64 = arith.constant 0 : i32
    %dma_start3A_65 = tpu.memref_slice %arg7[%dma_start3A_54, %dma_start3A_64] : memref<2x8192xf32, #tpu.memory_space<vmem>> -> memref<1x8192xf32, #tpu.memory_space<vmem>>
    %dma_start3A_66 = tpu.memref_squeeze %dma_start3A_65 : memref<1x8192xf32, #tpu.memory_space<vmem>> -> memref<8192xf32, #tpu.memory_space<vmem>>
    tpu.enqueue_dma source(%dma_start3A_66 : memref<8192xf32, #tpu.memory_space<vmem>>) target(%dma_start3A_63 : memref<8192xf32, #tpu.memory_space<hbm>>) target_semaphore(%arg12 : memref<!tpu.dma_semaphore, #tpu.memory_space<semaphore_mem>>)
    %add3A_67 = arith.constant 1 : i32
    %add3A_68 = arith.addi %mul3A_2, %add3A_67 : i32
    %dma_start3A_69 = arith.constant 0 : i32
    %dma_start3A_70 = arith.constant 0 : i32
    %dma_start3A_71 = tpu.memref_slice %arg6[%dma_start3A_69, %dma_start3A_70] : memref<2x8192xf32, #tpu.memory_space<vmem>> -> memref<1x8192xf32, #tpu.memory_space<vmem>>
    %dma_start3A_72 = tpu.memref_squeeze %dma_start3A_71 : memref<1x8192xf32, #tpu.memory_space<vmem>> -> memref<8192xf32, #tpu.memory_space<vmem>>
    %dma_start3A_73 = arith.constant 0 : i32
    %dma_start3A_74 = tpu.memref_slice %arg2[%add3A_68, %dma_start3A_73] : memref<64x16384xf32, #tpu.memory_space<hbm>> -> memref<1x8192xf32, #tpu.memory_space<hbm>>
    %dma_start3A_75 = tpu.memref_squeeze %dma_start3A_74 : memref<1x8192xf32, #tpu.memory_space<hbm>> -> memref<8192xf32, #tpu.memory_space<hbm>>
    %dma_start3A_76 = arith.constant 0 : i32
    %dma_start3A_77 = tpu.memref_slice %arg6[%dma_start3A_69, %dma_start3A_76] : memref<2x8192xf32, #tpu.memory_space<vmem>> -> memref<1x8192xf32, #tpu.memory_space<vmem>>
    %dma_start3A_78 = tpu.memref_squeeze %dma_start3A_77 : memref<1x8192xf32, #tpu.memory_space<vmem>> -> memref<8192xf32, #tpu.memory_space<vmem>>
    %dma_start3A_79 = arith.constant 0 : i32
    %dma_start3A_80 = tpu.memref_slice %arg2[%add3A_68, %dma_start3A_79] : memref<64x16384xf32, #tpu.memory_space<hbm>> -> memref<1x8192xf32, #tpu.memory_space<hbm>>
    %dma_start3A_81 = tpu.memref_squeeze %dma_start3A_80 : memref<1x8192xf32, #tpu.memory_space<hbm>> -> memref<8192xf32, #tpu.memory_space<hbm>>
    tpu.enqueue_dma source(%dma_start3A_81 : memref<8192xf32, #tpu.memory_space<hbm>>) target(%dma_start3A_78 : memref<8192xf32, #tpu.memory_space<vmem>>) target_semaphore(%arg10 : memref<!tpu.dma_semaphore, #tpu.memory_space<semaphore_mem>>)
    %add3A_82 = arith.constant 0 : i32
    %add3A_83 = arith.addi %mul3A_2, %add3A_82 : i32
    %dma_wait3A_84 = arith.constant 1 : i32
    %dma_wait3A_85 = arith.constant 0 : i32
    %dma_wait3A_86 = tpu.memref_slice %arg6[%dma_wait3A_84, %dma_wait3A_85] : memref<2x8192xf32, #tpu.memory_space<vmem>> -> memref<1x8192xf32, #tpu.memory_space<vmem>>
    %dma_wait3A_87 = tpu.memref_squeeze %dma_wait3A_86 : memref<1x8192xf32, #tpu.memory_space<vmem>> -> memref<8192xf32, #tpu.memory_space<vmem>>
    %dma_wait3A_88 = arith.constant 8192 : i32
    %dma_wait3A_89 = tpu.memref_slice %arg2[%add3A_83, %dma_wait3A_88] : memref<64x16384xf32, #tpu.memory_space<hbm>> -> memref<1x8192xf32, #tpu.memory_space<hbm>>
    %dma_wait3A_90 = tpu.memref_squeeze %dma_wait3A_89 : memref<1x8192xf32, #tpu.memory_space<hbm>> -> memref<8192xf32, #tpu.memory_space<hbm>>
    %dma_wait3A_91 = arith.constant 0 : i32
    %dma_wait3A_92 = tpu.memref_slice %arg6[%dma_wait3A_84, %dma_wait3A_91] : memref<2x8192xf32, #tpu.memory_space<vmem>> -> memref<1x8192xf32, #tpu.memory_space<vmem>>
    %dma_wait3A_93 = tpu.memref_squeeze %dma_wait3A_92 : memref<1x8192xf32, #tpu.memory_space<vmem>> -> memref<8192xf32, #tpu.memory_space<vmem>>
    %dma_wait3A_94 = arith.constant 8192 : i32
    %dma_wait3A_95 = tpu.memref_slice %arg2[%add3A_83, %dma_wait3A_94] : memref<64x16384xf32, #tpu.memory_space<hbm>> -> memref<1x8192xf32, #tpu.memory_space<hbm>>
    %dma_wait3A_96 = tpu.memref_squeeze %dma_wait3A_95 : memref<1x8192xf32, #tpu.memory_space<hbm>> -> memref<8192xf32, #tpu.memory_space<hbm>>
    tpu.wait_dma2 semaphore(%arg11 : memref<!tpu.dma_semaphore, #tpu.memory_space<semaphore_mem>>) src(%dma_wait3A_96 : memref<8192xf32, #tpu.memory_space<hbm>>) dst(%dma_wait3A_93 : memref<8192xf32, #tpu.memory_space<vmem>>)
    %add3A_97 = arith.constant 0 : i32
    %add3A_98 = arith.addi %mul3A_2, %add3A_97 : i32
    %mul3A_99 = arith.constant 128 : i32
    %mul3A_100 = arith.muli %add3A_98, %mul3A_99 : i32
    %parallel_loop3A_101 = arith.constant 0 : i32
    %parallel_loop3A_102 = arith.constant 512 : i32
    %parallel_loop3A_103 = arith.constant 1 : i32
    scf.for %parallel_loop3A_268 = %parallel_loop3A_101 to %parallel_loop3A_102 step %parallel_loop3A_103  : i32 {
      %parallel_loop3A_269 = arith.constant 16 : i32
      %parallel_loop3A_270 = arith.muli %parallel_loop3A_268, %parallel_loop3A_269 : i32
      %parallel_loop3A_271 = arith.constant 1 : i32
      %parallel_loop3A_272 = arith.index_cast %parallel_loop3A_271 : i32 to index
      %parallel_loop3A_273 = arith.index_cast %parallel_loop3A_270 : i32 to index
      %parallel_loop3A_274 = tpu.vector_load %arg6[%parallel_loop3A_272, %parallel_loop3A_273] {strides = array<i32>} : memref<2x8192xf32, #tpu.memory_space<vmem>>, vector<16xf32>,
      %parallel_loop3A_275 = arith.constant 9.89999961 : f32
      %parallel_loop3A_276 = vector.broadcast %parallel_loop3A_275 : f32 to vector<16xf32>
      %parallel_loop3A_277 = arith.mulf %parallel_loop3A_274, %parallel_loop3A_276 : vector<16xf32>
      %parallel_loop3A_278 = arith.constant 5.050000e+01 : f32
      %parallel_loop3A_279 = vector.broadcast %parallel_loop3A_278 : f32 to vector<16xf32>
      %parallel_loop3A_280 = arith.addf %parallel_loop3A_277, %parallel_loop3A_279 : vector<16xf32>
      %parallel_loop3A_281 = arith.constant 0.000000e+00 : f32
      %parallel_loop3A_282 = vector.broadcast %parallel_loop3A_281 : f32 to vector<16xf32>
      %parallel_loop3A_283 = arith.maximumf %parallel_loop3A_280, %parallel_loop3A_282 : vector<16xf32>
      %parallel_loop3A_284 = arith.constant 1.000000e+02 : f32
      %parallel_loop3A_285 = vector.broadcast %parallel_loop3A_284 : f32 to vector<16xf32>
      %parallel_loop3A_286 = arith.minimumf %parallel_loop3A_283, %parallel_loop3A_285 : vector<16xf32>
      %parallel_loop3A_287 = arith.fptosi %parallel_loop3A_286 : vector<16xf32> to vector<16xi32>
      %parallel_loop3A_288 = vector.broadcast %mul3A_100 : i32 to vector<16xi32>
      %parallel_loop3A_289 = arith.addi %parallel_loop3A_287, %parallel_loop3A_288 : vector<16xi32>
      %parallel_loop3A_290 = tpu.vector_load_idx %arg8[%parallel_loop3A_289] : memref<8192xf32, #tpu.memory_space<vmem>>[vector<16xi32>], vector<16xf32>,
      %parallel_loop3A_291 = tpu.vector_load_idx %arg9[%parallel_loop3A_289] : memref<8192xf32, #tpu.memory_space<vmem>>[vector<16xi32>], vector<16xf32>,
      %parallel_loop3A_292 = arith.mulf %parallel_loop3A_274, %parallel_loop3A_290 : vector<16xf32>
      %parallel_loop3A_293 = arith.addf %parallel_loop3A_292, %parallel_loop3A_291 : vector<16xf32>
      %parallel_loop3A_294 = arith.constant 1 : i32
      %parallel_loop3A_295 = arith.index_cast %parallel_loop3A_294 : i32 to index
      %parallel_loop3A_296 = arith.index_cast %parallel_loop3A_270 : i32 to index
      %parallel_loop3A_297 = tpu.vector_load %arg7[%parallel_loop3A_295, %parallel_loop3A_296] {strides = array<i32>} : memref<2x8192xf32, #tpu.memory_space<vmem>>, vector<16xf32>,
      tpu.vector_store %arg7[%parallel_loop3A_295, %parallel_loop3A_296], %parallel_loop3A_293 {strides = array<i32>} : memref<2x8192xf32, #tpu.memory_space<vmem>>, vector<16xf32>,
    } {sc.loop_unroll_factor = 8 : i64, sc.parallel_access}
    %add3A_104 = arith.constant 0 : i32
    %add3A_105 = arith.addi %mul3A_2, %add3A_104 : i32
    %dma_start3A_106 = arith.constant 1 : i32
    %dma_start3A_107 = arith.constant 0 : i32
    %dma_start3A_108 = tpu.memref_slice %arg7[%dma_start3A_106, %dma_start3A_107] : memref<2x8192xf32, #tpu.memory_space<vmem>> -> memref<1x8192xf32, #tpu.memory_space<vmem>>
    %dma_start3A_109 = tpu.memref_squeeze %dma_start3A_108 : memref<1x8192xf32, #tpu.memory_space<vmem>> -> memref<8192xf32, #tpu.memory_space<vmem>>
    %dma_start3A_110 = arith.constant 8192 : i32
    %dma_start3A_111 = tpu.memref_slice %arg5[%add3A_105, %dma_start3A_110] : memref<64x16384xf32, #tpu.memory_space<hbm>> -> memref<1x8192xf32, #tpu.memory_space<hbm>>
    %dma_start3A_112 = tpu.memref_squeeze %dma_start3A_111 : memref<1x8192xf32, #tpu.memory_space<hbm>> -> memref<8192xf32, #tpu.memory_space<hbm>>
    %dma_start3A_113 = arith.constant 8192 : i32
    %dma_start3A_114 = tpu.memref_slice %arg5[%add3A_105, %dma_start3A_113] : memref<64x16384xf32, #tpu.memory_space<hbm>> -> memref<1x8192xf32, #tpu.memory_space<hbm>>
    %dma_start3A_115 = tpu.memref_squeeze %dma_start3A_114 : memref<1x8192xf32, #tpu.memory_space<hbm>> -> memref<8192xf32, #tpu.memory_space<hbm>>
    %dma_start3A_116 = arith.constant 0 : i32
    %dma_start3A_117 = tpu.memref_slice %arg7[%dma_start3A_106, %dma_start3A_116] : memref<2x8192xf32, #tpu.memory_space<vmem>> -> memref<1x8192xf32, #tpu.memory_space<vmem>>
    %dma_start3A_118 = tpu.memref_squeeze %dma_start3A_117 : memref<1x8192xf32, #tpu.memory_space<vmem>> -> memref<8192xf32, #tpu.memory_space<vmem>>
    tpu.enqueue_dma source(%dma_start3A_118 : memref<8192xf32, #tpu.memory_space<vmem>>) target(%dma_start3A_115 : memref<8192xf32, #tpu.memory_space<hbm>>) target_semaphore(%arg13 : memref<!tpu.dma_semaphore, #tpu.memory_space<semaphore_mem>>)
    %add3A_119 = arith.constant 1 : i32
    %add3A_120 = arith.addi %mul3A_2, %add3A_119 : i32
    %dma_start3A_121 = arith.constant 1 : i32
    %dma_start3A_122 = arith.constant 0 : i32
    %dma_start3A_123 = tpu.memref_slice %arg6[%dma_start3A_121, %dma_start3A_122] : memref<2x8192xf32, #tpu.memory_space<vmem>> -> memref<1x8192xf32, #tpu.memory_space<vmem>>
    %dma_start3A_124 = tpu.memref_squeeze %dma_start3A_123 : memref<1x8192xf32, #tpu.memory_space<vmem>> -> memref<8192xf32, #tpu.memory_space<vmem>>
    %dma_start3A_125 = arith.constant 8192 : i32
    %dma_start3A_126 = tpu.memref_slice %arg2[%add3A_120, %dma_start3A_125] : memref<64x16384xf32, #tpu.memory_space<hbm>> -> memref<1x8192xf32, #tpu.memory_space<hbm>>
    %dma_start3A_127 = tpu.memref_squeeze %dma_start3A_126 : memref<1x8192xf32, #tpu.memory_space<hbm>> -> memref<8192xf32, #tpu.memory_space<hbm>>
    %dma_start3A_128 = arith.constant 0 : i32
    %dma_start3A_129 = tpu.memref_slice %arg6[%dma_start3A_121, %dma_start3A_128] : memref<2x8192xf32, #tpu.memory_space<vmem>> -> memref<1x8192xf32, #tpu.memory_space<vmem>>
    %dma_start3A_130 = tpu.memref_squeeze %dma_start3A_129 : memref<1x8192xf32, #tpu.memory_space<vmem>> -> memref<8192xf32, #tpu.memory_space<vmem>>
    %dma_start3A_131 = arith.constant 8192 : i32
    %dma_start3A_132 = tpu.memref_slice %arg2[%add3A_120, %dma_start3A_131] : memref<64x16384xf32, #tpu.memory_space<hbm>> -> memref<1x8192xf32, #tpu.memory_space<hbm>>
    %dma_start3A_133 = tpu.memref_squeeze %dma_start3A_132 : memref<1x8192xf32, #tpu.memory_space<hbm>> -> memref<8192xf32, #tpu.memory_space<hbm>>
    tpu.enqueue_dma source(%dma_start3A_133 : memref<8192xf32, #tpu.memory_space<hbm>>) target(%dma_start3A_130 : memref<8192xf32, #tpu.memory_space<vmem>>) target_semaphore(%arg11 : memref<!tpu.dma_semaphore, #tpu.memory_space<semaphore_mem>>)
    %add3A_134 = arith.constant 1 : i32
    %add3A_135 = arith.addi %mul3A_2, %add3A_134 : i32
    %dma_wait3A_136 = arith.constant 0 : i32
    %dma_wait3A_137 = arith.constant 0 : i32
    %dma_wait3A_138 = tpu.memref_slice %arg6[%dma_wait3A_136, %dma_wait3A_137] : memref<2x8192xf32, #tpu.memory_space<vmem>> -> memref<1x8192xf32, #tpu.memory_space<vmem>>
    %dma_wait3A_139 = tpu.memref_squeeze %dma_wait3A_138 : memref<1x8192xf32, #tpu.memory_space<vmem>> -> memref<8192xf32, #tpu.memory_space<vmem>>
    %dma_wait3A_140 = arith.constant 0 : i32
    %dma_wait3A_141 = tpu.memref_slice %arg2[%add3A_135, %dma_wait3A_140] : memref<64x16384xf32, #tpu.memory_space<hbm>> -> memref<1x8192xf32, #tpu.memory_space<hbm>>
    %dma_wait3A_142 = tpu.memref_squeeze %dma_wait3A_141 : memref<1x8192xf32, #tpu.memory_space<hbm>> -> memref<8192xf32, #tpu.memory_space<hbm>>
    %dma_wait3A_143 = arith.constant 0 : i32
    %dma_wait3A_144 = tpu.memref_slice %arg6[%dma_wait3A_136, %dma_wait3A_143] : memref<2x8192xf32, #tpu.memory_space<vmem>> -> memref<1x8192xf32, #tpu.memory_space<vmem>>
    %dma_wait3A_145 = tpu.memref_squeeze %dma_wait3A_144 : memref<1x8192xf32, #tpu.memory_space<vmem>> -> memref<8192xf32, #tpu.memory_space<vmem>>
    %dma_wait3A_146 = arith.constant 0 : i32
    %dma_wait3A_147 = tpu.memref_slice %arg2[%add3A_135, %dma_wait3A_146] : memref<64x16384xf32, #tpu.memory_space<hbm>> -> memref<1x8192xf32, #tpu.memory_space<hbm>>
    %dma_wait3A_148 = tpu.memref_squeeze %dma_wait3A_147 : memref<1x8192xf32, #tpu.memory_space<hbm>> -> memref<8192xf32, #tpu.memory_space<hbm>>
    tpu.wait_dma2 semaphore(%arg10 : memref<!tpu.dma_semaphore, #tpu.memory_space<semaphore_mem>>) src(%dma_wait3A_148 : memref<8192xf32, #tpu.memory_space<hbm>>) dst(%dma_wait3A_145 : memref<8192xf32, #tpu.memory_space<vmem>>)
    %add3A_149 = arith.constant 0 : i32
    %add3A_150 = arith.addi %mul3A_2, %add3A_149 : i32
    %dma_wait3A_151 = arith.constant 0 : i32
    %dma_wait3A_152 = arith.constant 0 : i32
    %dma_wait3A_153 = tpu.memref_slice %arg7[%dma_wait3A_151, %dma_wait3A_152] : memref<2x8192xf32, #tpu.memory_space<vmem>> -> memref<1x8192xf32, #tpu.memory_space<vmem>>
    %dma_wait3A_154 = tpu.memref_squeeze %dma_wait3A_153 : memref<1x8192xf32, #tpu.memory_space<vmem>> -> memref<8192xf32, #tpu.memory_space<vmem>>
    %dma_wait3A_155 = arith.constant 0 : i32
    %dma_wait3A_156 = tpu.memref_slice %arg5[%add3A_150, %dma_wait3A_155] : memref<64x16384xf32, #tpu.memory_space<hbm>> -> memref<1x8192xf32, #tpu.memory_space<hbm>>
    %dma_wait3A_157 = tpu.memref_squeeze %dma_wait3A_156 : memref<1x8192xf32, #tpu.memory_space<hbm>> -> memref<8192xf32, #tpu.memory_space<hbm>>
    %dma_wait3A_158 = arith.constant 0 : i32
    %dma_wait3A_159 = tpu.memref_slice %arg5[%add3A_150, %dma_wait3A_158] : memref<64x16384xf32, #tpu.memory_space<hbm>> -> memref<1x8192xf32, #tpu.memory_space<hbm>>
    %dma_wait3A_160 = tpu.memref_squeeze %dma_wait3A_159 : memref<1x8192xf32, #tpu.memory_space<hbm>> -> memref<8192xf32, #tpu.memory_space<hbm>>
    %dma_wait3A_161 = arith.constant 0 : i32
    %dma_wait3A_162 = tpu.memref_slice %arg7[%dma_wait3A_151, %dma_wait3A_161] : memref<2x8192xf32, #tpu.memory_space<vmem>> -> memref<1x8192xf32, #tpu.memory_space<vmem>>
    %dma_wait3A_163 = tpu.memref_squeeze %dma_wait3A_162 : memref<1x8192xf32, #tpu.memory_space<vmem>> -> memref<8192xf32, #tpu.memory_space<vmem>>
    tpu.wait_dma2 semaphore(%arg12 : memref<!tpu.dma_semaphore, #tpu.memory_space<semaphore_mem>>) src(%dma_wait3A_163 : memref<8192xf32, #tpu.memory_space<vmem>>) dst(%dma_wait3A_160 : memref<8192xf32, #tpu.memory_space<hbm>>)
    %add3A_164 = arith.constant 1 : i32
    %add3A_165 = arith.addi %mul3A_2, %add3A_164 : i32
    %mul3A_166 = arith.constant 128 : i32
    %mul3A_167 = arith.muli %add3A_165, %mul3A_166 : i32
    %parallel_loop3A_168 = arith.constant 0 : i32
    %parallel_loop3A_169 = arith.constant 512 : i32
    %parallel_loop3A_170 = arith.constant 1 : i32
    scf.for %parallel_loop3A_268 = %parallel_loop3A_168 to %parallel_loop3A_169 step %parallel_loop3A_170  : i32 {
      %parallel_loop3A_269 = arith.constant 16 : i32
      %parallel_loop3A_270 = arith.muli %parallel_loop3A_268, %parallel_loop3A_269 : i32
      %parallel_loop3A_271 = arith.constant 0 : i32
      %parallel_loop3A_272 = arith.index_cast %parallel_loop3A_271 : i32 to index
      %parallel_loop3A_273 = arith.index_cast %parallel_loop3A_270 : i32 to index
      %parallel_loop3A_274 = tpu.vector_load %arg6[%parallel_loop3A_272, %parallel_loop3A_273] {strides = array<i32>} : memref<2x8192xf32, #tpu.memory_space<vmem>>, vector<16xf32>,
      %parallel_loop3A_275 = arith.constant 9.89999961 : f32
      %parallel_loop3A_276 = vector.broadcast %parallel_loop3A_275 : f32 to vector<16xf32>
      %parallel_loop3A_277 = arith.mulf %parallel_loop3A_274, %parallel_loop3A_276 : vector<16xf32>
      %parallel_loop3A_278 = arith.constant 5.050000e+01 : f32
      %parallel_loop3A_279 = vector.broadcast %parallel_loop3A_278 : f32 to vector<16xf32>
      %parallel_loop3A_280 = arith.addf %parallel_loop3A_277, %parallel_loop3A_279 : vector<16xf32>
      %parallel_loop3A_281 = arith.constant 0.000000e+00 : f32
      %parallel_loop3A_282 = vector.broadcast %parallel_loop3A_281 : f32 to vector<16xf32>
      %parallel_loop3A_283 = arith.maximumf %parallel_loop3A_280, %parallel_loop3A_282 : vector<16xf32>
      %parallel_loop3A_284 = arith.constant 1.000000e+02 : f32
      %parallel_loop3A_285 = vector.broadcast %parallel_loop3A_284 : f32 to vector<16xf32>
      %parallel_loop3A_286 = arith.minimumf %parallel_loop3A_283, %parallel_loop3A_285 : vector<16xf32>
      %parallel_loop3A_287 = arith.fptosi %parallel_loop3A_286 : vector<16xf32> to vector<16xi32>
      %parallel_loop3A_288 = vector.broadcast %mul3A_167 : i32 to vector<16xi32>
      %parallel_loop3A_289 = arith.addi %parallel_loop3A_287, %parallel_loop3A_288 : vector<16xi32>
      %parallel_loop3A_290 = tpu.vector_load_idx %arg8[%parallel_loop3A_289] : memref<8192xf32, #tpu.memory_space<vmem>>[vector<16xi32>], vector<16xf32>,
      %parallel_loop3A_291 = tpu.vector_load_idx %arg9[%parallel_loop3A_289] : memref<8192xf32, #tpu.memory_space<vmem>>[vector<16xi32>], vector<16xf32>,
      %parallel_loop3A_292 = arith.mulf %parallel_loop3A_274, %parallel_loop3A_290 : vector<16xf32>
      %parallel_loop3A_293 = arith.addf %parallel_loop3A_292, %parallel_loop3A_291 : vector<16xf32>
      %parallel_loop3A_294 = arith.constant 0 : i32
      %parallel_loop3A_295 = arith.index_cast %parallel_loop3A_294 : i32 to index
      %parallel_loop3A_296 = arith.index_cast %parallel_loop3A_270 : i32 to index
      %parallel_loop3A_297 = tpu.vector_load %arg7[%parallel_loop3A_295, %parallel_loop3A_296] {strides = array<i32>} : memref<2x8192xf32, #tpu.memory_space<vmem>>, vector<16xf32>,
      tpu.vector_store %arg7[%parallel_loop3A_295, %parallel_loop3A_296], %parallel_loop3A_293 {strides = array<i32>} : memref<2x8192xf32, #tpu.memory_space<vmem>>, vector<16xf32>,
    } {sc.loop_unroll_factor = 8 : i64, sc.parallel_access}
    %add3A_171 = arith.constant 1 : i32
    %add3A_172 = arith.addi %mul3A_2, %add3A_171 : i32
    %dma_start3A_173 = arith.constant 0 : i32
    %dma_start3A_174 = arith.constant 0 : i32
    %dma_start3A_175 = tpu.memref_slice %arg7[%dma_start3A_173, %dma_start3A_174] : memref<2x8192xf32, #tpu.memory_space<vmem>> -> memref<1x8192xf32, #tpu.memory_space<vmem>>
    %dma_start3A_176 = tpu.memref_squeeze %dma_start3A_175 : memref<1x8192xf32, #tpu.memory_space<vmem>> -> memref<8192xf32, #tpu.memory_space<vmem>>
    %dma_start3A_177 = arith.constant 0 : i32
    %dma_start3A_178 = tpu.memref_slice %arg5[%add3A_172, %dma_start3A_177] : memref<64x16384xf32, #tpu.memory_space<hbm>> -> memref<1x8192xf32, #tpu.memory_space<hbm>>
    %dma_start3A_179 = tpu.memref_squeeze %dma_start3A_178 : memref<1x8192xf32, #tpu.memory_space<hbm>> -> memref<8192xf32, #tpu.memory_space<hbm>>
    %dma_start3A_180 = arith.constant 0 : i32
    %dma_start3A_181 = tpu.memref_slice %arg5[%add3A_172, %dma_start3A_180] : memref<64x16384xf32, #tpu.memory_space<hbm>> -> memref<1x8192xf32, #tpu.memory_space<hbm>>
    %dma_start3A_182 = tpu.memref_squeeze %dma_start3A_181 : memref<1x8192xf32, #tpu.memory_space<hbm>> -> memref<8192xf32, #tpu.memory_space<hbm>>
    %dma_start3A_183 = arith.constant 0 : i32
    %dma_start3A_184 = tpu.memref_slice %arg7[%dma_start3A_173, %dma_start3A_183] : memref<2x8192xf32, #tpu.memory_space<vmem>> -> memref<1x8192xf32, #tpu.memory_space<vmem>>
    %dma_start3A_185 = tpu.memref_squeeze %dma_start3A_184 : memref<1x8192xf32, #tpu.memory_space<vmem>> -> memref<8192xf32, #tpu.memory_space<vmem>>
    tpu.enqueue_dma source(%dma_start3A_185 : memref<8192xf32, #tpu.memory_space<vmem>>) target(%dma_start3A_182 : memref<8192xf32, #tpu.memory_space<hbm>>) target_semaphore(%arg12 : memref<!tpu.dma_semaphore, #tpu.memory_space<semaphore_mem>>)
    %add3A_186 = arith.constant 1 : i32
    %add3A_187 = arith.addi %mul3A_2, %add3A_186 : i32
    %dma_wait3A_188 = arith.constant 1 : i32
    %dma_wait3A_189 = arith.constant 0 : i32
    %dma_wait3A_190 = tpu.memref_slice %arg6[%dma_wait3A_188, %dma_wait3A_189] : memref<2x8192xf32, #tpu.memory_space<vmem>> -> memref<1x8192xf32, #tpu.memory_space<vmem>>
    %dma_wait3A_191 = tpu.memref_squeeze %dma_wait3A_190 : memref<1x8192xf32, #tpu.memory_space<vmem>> -> memref<8192xf32, #tpu.memory_space<vmem>>
    %dma_wait3A_192 = arith.constant 8192 : i32
    %dma_wait3A_193 = tpu.memref_slice %arg2[%add3A_187, %dma_wait3A_192] : memref<64x16384xf32, #tpu.memory_space<hbm>> -> memref<1x8192xf32, #tpu.memory_space<hbm>>
    %dma_wait3A_194 = tpu.memref_squeeze %dma_wait3A_193 : memref<1x8192xf32, #tpu.memory_space<hbm>> -> memref<8192xf32, #tpu.memory_space<hbm>>
    %dma_wait3A_195 = arith.constant 0 : i32
    %dma_wait3A_196 = tpu.memref_slice %arg6[%dma_wait3A_188, %dma_wait3A_195] : memref<2x8192xf32, #tpu.memory_space<vmem>> -> memref<1x8192xf32, #tpu.memory_space<vmem>>
    %dma_wait3A_197 = tpu.memref_squeeze %dma_wait3A_196 : memref<1x8192xf32, #tpu.memory_space<vmem>> -> memref<8192xf32, #tpu.memory_space<vmem>>
    %dma_wait3A_198 = arith.constant 8192 : i32
    %dma_wait3A_199 = tpu.memref_slice %arg2[%add3A_187, %dma_wait3A_198] : memref<64x16384xf32, #tpu.memory_space<hbm>> -> memref<1x8192xf32, #tpu.memory_space<hbm>>
    %dma_wait3A_200 = tpu.memref_squeeze %dma_wait3A_199 : memref<1x8192xf32, #tpu.memory_space<hbm>> -> memref<8192xf32, #tpu.memory_space<hbm>>
    tpu.wait_dma2 semaphore(%arg11 : memref<!tpu.dma_semaphore, #tpu.memory_space<semaphore_mem>>) src(%dma_wait3A_200 : memref<8192xf32, #tpu.memory_space<hbm>>) dst(%dma_wait3A_197 : memref<8192xf32, #tpu.memory_space<vmem>>)
    %add3A_201 = arith.constant 0 : i32
    %add3A_202 = arith.addi %mul3A_2, %add3A_201 : i32
    %dma_wait3A_203 = arith.constant 1 : i32
    %dma_wait3A_204 = arith.constant 0 : i32
    %dma_wait3A_205 = tpu.memref_slice %arg7[%dma_wait3A_203, %dma_wait3A_204] : memref<2x8192xf32, #tpu.memory_space<vmem>> -> memref<1x8192xf32, #tpu.memory_space<vmem>>
    %dma_wait3A_206 = tpu.memref_squeeze %dma_wait3A_205 : memref<1x8192xf32, #tpu.memory_space<vmem>> -> memref<8192xf32, #tpu.memory_space<vmem>>
    %dma_wait3A_207 = arith.constant 8192 : i32
    %dma_wait3A_208 = tpu.memref_slice %arg5[%add3A_202, %dma_wait3A_207] : memref<64x16384xf32, #tpu.memory_space<hbm>> -> memref<1x8192xf32, #tpu.memory_space<hbm>>
    %dma_wait3A_209 = tpu.memref_squeeze %dma_wait3A_208 : memref<1x8192xf32, #tpu.memory_space<hbm>> -> memref<8192xf32, #tpu.memory_space<hbm>>
    %dma_wait3A_210 = arith.constant 8192 : i32
    %dma_wait3A_211 = tpu.memref_slice %arg5[%add3A_202, %dma_wait3A_210] : memref<64x16384xf32, #tpu.memory_space<hbm>> -> memref<1x8192xf32, #tpu.memory_space<hbm>>
    %dma_wait3A_212 = tpu.memref_squeeze %dma_wait3A_211 : memref<1x8192xf32, #tpu.memory_space<hbm>> -> memref<8192xf32, #tpu.memory_space<hbm>>
    %dma_wait3A_213 = arith.constant 0 : i32
    %dma_wait3A_214 = tpu.memref_slice %arg7[%dma_wait3A_203, %dma_wait3A_213] : memref<2x8192xf32, #tpu.memory_space<vmem>> -> memref<1x8192xf32, #tpu.memory_space<vmem>>
    %dma_wait3A_215 = tpu.memref_squeeze %dma_wait3A_214 : memref<1x8192xf32, #tpu.memory_space<vmem>> -> memref<8192xf32, #tpu.memory_space<vmem>>
    tpu.wait_dma2 semaphore(%arg13 : memref<!tpu.dma_semaphore, #tpu.memory_space<semaphore_mem>>) src(%dma_wait3A_215 : memref<8192xf32, #tpu.memory_space<vmem>>) dst(%dma_wait3A_212 : memref<8192xf32, #tpu.memory_space<hbm>>)
    %add3A_216 = arith.constant 1 : i32
    %add3A_217 = arith.addi %mul3A_2, %add3A_216 : i32
    %mul3A_218 = arith.constant 128 : i32
    %mul3A_219 = arith.muli %add3A_217, %mul3A_218 : i32
    %parallel_loop3A_220 = arith.constant 0 : i32
    %parallel_loop3A_221 = arith.constant 512 : i32
    %parallel_loop3A_222 = arith.constant 1 : i32
    scf.for %parallel_loop3A_268 = %parallel_loop3A_220 to %parallel_loop3A_221 step %parallel_loop3A_222  : i32 {
      %parallel_loop3A_269 = arith.constant 16 : i32
      %parallel_loop3A_270 = arith.muli %parallel_loop3A_268, %parallel_loop3A_269 : i32
      %parallel_loop3A_271 = arith.constant 1 : i32
      %parallel_loop3A_272 = arith.index_cast %parallel_loop3A_271 : i32 to index
      %parallel_loop3A_273 = arith.index_cast %parallel_loop3A_270 : i32 to index
      %parallel_loop3A_274 = tpu.vector_load %arg6[%parallel_loop3A_272, %parallel_loop3A_273] {strides = array<i32>} : memref<2x8192xf32, #tpu.memory_space<vmem>>, vector<16xf32>,
      %parallel_loop3A_275 = arith.constant 9.89999961 : f32
      %parallel_loop3A_276 = vector.broadcast %parallel_loop3A_275 : f32 to vector<16xf32>
      %parallel_loop3A_277 = arith.mulf %parallel_loop3A_274, %parallel_loop3A_276 : vector<16xf32>
      %parallel_loop3A_278 = arith.constant 5.050000e+01 : f32
      %parallel_loop3A_279 = vector.broadcast %parallel_loop3A_278 : f32 to vector<16xf32>
      %parallel_loop3A_280 = arith.addf %parallel_loop3A_277, %parallel_loop3A_279 : vector<16xf32>
      %parallel_loop3A_281 = arith.constant 0.000000e+00 : f32
      %parallel_loop3A_282 = vector.broadcast %parallel_loop3A_281 : f32 to vector<16xf32>
      %parallel_loop3A_283 = arith.maximumf %parallel_loop3A_280, %parallel_loop3A_282 : vector<16xf32>
      %parallel_loop3A_284 = arith.constant 1.000000e+02 : f32
      %parallel_loop3A_285 = vector.broadcast %parallel_loop3A_284 : f32 to vector<16xf32>
      %parallel_loop3A_286 = arith.minimumf %parallel_loop3A_283, %parallel_loop3A_285 : vector<16xf32>
      %parallel_loop3A_287 = arith.fptosi %parallel_loop3A_286 : vector<16xf32> to vector<16xi32>
      %parallel_loop3A_288 = vector.broadcast %mul3A_219 : i32 to vector<16xi32>
      %parallel_loop3A_289 = arith.addi %parallel_loop3A_287, %parallel_loop3A_288 : vector<16xi32>
      %parallel_loop3A_290 = tpu.vector_load_idx %arg8[%parallel_loop3A_289] : memref<8192xf32, #tpu.memory_space<vmem>>[vector<16xi32>], vector<16xf32>,
      %parallel_loop3A_291 = tpu.vector_load_idx %arg9[%parallel_loop3A_289] : memref<8192xf32, #tpu.memory_space<vmem>>[vector<16xi32>], vector<16xf32>,
      %parallel_loop3A_292 = arith.mulf %parallel_loop3A_274, %parallel_loop3A_290 : vector<16xf32>
      %parallel_loop3A_293 = arith.addf %parallel_loop3A_292, %parallel_loop3A_291 : vector<16xf32>
      %parallel_loop3A_294 = arith.constant 1 : i32
      %parallel_loop3A_295 = arith.index_cast %parallel_loop3A_294 : i32 to index
      %parallel_loop3A_296 = arith.index_cast %parallel_loop3A_270 : i32 to index
      %parallel_loop3A_297 = tpu.vector_load %arg7[%parallel_loop3A_295, %parallel_loop3A_296] {strides = array<i32>} : memref<2x8192xf32, #tpu.memory_space<vmem>>, vector<16xf32>,
      tpu.vector_store %arg7[%parallel_loop3A_295, %parallel_loop3A_296], %parallel_loop3A_293 {strides = array<i32>} : memref<2x8192xf32, #tpu.memory_space<vmem>>, vector<16xf32>,
    } {sc.loop_unroll_factor = 8 : i64, sc.parallel_access}
    %add3A_223 = arith.constant 1 : i32
    %add3A_224 = arith.addi %mul3A_2, %add3A_223 : i32
    %dma_start3A_225 = arith.constant 1 : i32
    %dma_start3A_226 = arith.constant 0 : i32
    %dma_start3A_227 = tpu.memref_slice %arg7[%dma_start3A_225, %dma_start3A_226] : memref<2x8192xf32, #tpu.memory_space<vmem>> -> memref<1x8192xf32, #tpu.memory_space<vmem>>
    %dma_start3A_228 = tpu.memref_squeeze %dma_start3A_227 : memref<1x8192xf32, #tpu.memory_space<vmem>> -> memref<8192xf32, #tpu.memory_space<vmem>>
    %dma_start3A_229 = arith.constant 8192 : i32
    %dma_start3A_230 = tpu.memref_slice %arg5[%add3A_224, %dma_start3A_229] : memref<64x16384xf32, #tpu.memory_space<hbm>> -> memref<1x8192xf32, #tpu.memory_space<hbm>>
    %dma_start3A_231 = tpu.memref_squeeze %dma_start3A_230 : memref<1x8192xf32, #tpu.memory_space<hbm>> -> memref<8192xf32, #tpu.memory_space<hbm>>
    %dma_start3A_232 = arith.constant 8192 : i32
    %dma_start3A_233 = tpu.memref_slice %arg5[%add3A_224, %dma_start3A_232] : memref<64x16384xf32, #tpu.memory_space<hbm>> -> memref<1x8192xf32, #tpu.memory_space<hbm>>
    %dma_start3A_234 = tpu.memref_squeeze %dma_start3A_233 : memref<1x8192xf32, #tpu.memory_space<hbm>> -> memref<8192xf32, #tpu.memory_space<hbm>>
    %dma_start3A_235 = arith.constant 0 : i32
    %dma_start3A_236 = tpu.memref_slice %arg7[%dma_start3A_225, %dma_start3A_235] : memref<2x8192xf32, #tpu.memory_space<vmem>> -> memref<1x8192xf32, #tpu.memory_space<vmem>>
    %dma_start3A_237 = tpu.memref_squeeze %dma_start3A_236 : memref<1x8192xf32, #tpu.memory_space<vmem>> -> memref<8192xf32, #tpu.memory_space<vmem>>
    tpu.enqueue_dma source(%dma_start3A_237 : memref<8192xf32, #tpu.memory_space<vmem>>) target(%dma_start3A_234 : memref<8192xf32, #tpu.memory_space<hbm>>) target_semaphore(%arg13 : memref<!tpu.dma_semaphore, #tpu.memory_space<semaphore_mem>>)
    %add3A_238 = arith.constant 1 : i32
    %add3A_239 = arith.addi %mul3A_2, %add3A_238 : i32
    %dma_wait3A_240 = arith.constant 0 : i32
    %dma_wait3A_241 = arith.constant 0 : i32
    %dma_wait3A_242 = tpu.memref_slice %arg7[%dma_wait3A_240, %dma_wait3A_241] : memref<2x8192xf32, #tpu.memory_space<vmem>> -> memref<1x8192xf32, #tpu.memory_space<vmem>>
    %dma_wait3A_243 = tpu.memref_squeeze %dma_wait3A_242 : memref<1x8192xf32, #tpu.memory_space<vmem>> -> memref<8192xf32, #tpu.memory_space<vmem>>
    %dma_wait3A_244 = arith.constant 0 : i32
    %dma_wait3A_245 = tpu.memref_slice %arg5[%add3A_239, %dma_wait3A_244] : memref<64x16384xf32, #tpu.memory_space<hbm>> -> memref<1x8192xf32, #tpu.memory_space<hbm>>
    %dma_wait3A_246 = tpu.memref_squeeze %dma_wait3A_245 : memref<1x8192xf32, #tpu.memory_space<hbm>> -> memref<8192xf32, #tpu.memory_space<hbm>>
    %dma_wait3A_247 = arith.constant 0 : i32
    %dma_wait3A_248 = tpu.memref_slice %arg5[%add3A_239, %dma_wait3A_247] : memref<64x16384xf32, #tpu.memory_space<hbm>> -> memref<1x8192xf32, #tpu.memory_space<hbm>>
    %dma_wait3A_249 = tpu.memref_squeeze %dma_wait3A_248 : memref<1x8192xf32, #tpu.memory_space<hbm>> -> memref<8192xf32, #tpu.memory_space<hbm>>
    %dma_wait3A_250 = arith.constant 0 : i32
    %dma_wait3A_251 = tpu.memref_slice %arg7[%dma_wait3A_240, %dma_wait3A_250] : memref<2x8192xf32, #tpu.memory_space<vmem>> -> memref<1x8192xf32, #tpu.memory_space<vmem>>
    %dma_wait3A_252 = tpu.memref_squeeze %dma_wait3A_251 : memref<1x8192xf32, #tpu.memory_space<vmem>> -> memref<8192xf32, #tpu.memory_space<vmem>>
    tpu.wait_dma2 semaphore(%arg12 : memref<!tpu.dma_semaphore, #tpu.memory_space<semaphore_mem>>) src(%dma_wait3A_252 : memref<8192xf32, #tpu.memory_space<vmem>>) dst(%dma_wait3A_249 : memref<8192xf32, #tpu.memory_space<hbm>>)
    %add3A_253 = arith.constant 1 : i32
    %add3A_254 = arith.addi %mul3A_2, %add3A_253 : i32
    %dma_wait3A_255 = arith.constant 1 : i32
    %dma_wait3A_256 = arith.constant 0 : i32
    %dma_wait3A_257 = tpu.memref_slice %arg7[%dma_wait3A_255, %dma_wait3A_256] : memref<2x8192xf32, #tpu.memory_space<vmem>> -> memref<1x8192xf32, #tpu.memory_space<vmem>>
    %dma_wait3A_258 = tpu.memref_squeeze %dma_wait3A_257 : memref<1x8192xf32, #tpu.memory_space<vmem>> -> memref<8192xf32, #tpu.memory_space<vmem>>
    %dma_wait3A_259 = arith.constant 8192 : i32
    %dma_wait3A_260 = tpu.memref_slice %arg5[%add3A_254, %dma_wait3A_259] : memref<64x16384xf32, #tpu.memory_space<hbm>> -> memref<1x8192xf32, #tpu.memory_space<hbm>>
    %dma_wait3A_261 = tpu.memref_squeeze %dma_wait3A_260 : memref<1x8192xf32, #tpu.memory_space<hbm>> -> memref<8192xf32, #tpu.memory_space<hbm>>
    %dma_wait3A_262 = arith.constant 8192 : i32
    %dma_wait3A_263 = tpu.memref_slice %arg5[%add3A_254, %dma_wait3A_262] : memref<64x16384xf32, #tpu.memory_space<hbm>> -> memref<1x8192xf32, #tpu.memory_space<hbm>>
    %dma_wait3A_264 = tpu.memref_squeeze %dma_wait3A_263 : memref<1x8192xf32, #tpu.memory_space<hbm>> -> memref<8192xf32, #tpu.memory_space<hbm>>
    %dma_wait3A_265 = arith.constant 0 : i32
    %dma_wait3A_266 = tpu.memref_slice %arg7[%dma_wait3A_255, %dma_wait3A_265] : memref<2x8192xf32, #tpu.memory_space<vmem>> -> memref<1x8192xf32, #tpu.memory_space<vmem>>
    %dma_wait3A_267 = tpu.memref_squeeze %dma_wait3A_266 : memref<1x8192xf32, #tpu.memory_space<vmem>> -> memref<8192xf32, #tpu.memory_space<vmem>>
    tpu.wait_dma2 semaphore(%arg13 : memref<!tpu.dma_semaphore, #tpu.memory_space<semaphore_mem>>) src(%dma_wait3A_267 : memref<8192xf32, #tpu.memory_space<vmem>>) dst(%dma_wait3A_264 : memref<8192xf32, #tpu.memory_space<hbm>>)
    return
  }
}

module attributes {stable_mosaic.version = 14 : i64} {
  func.func @_tc_kernel(%arg0: i32, %arg1: memref<64x8192xf32, #tpu.memory_space<vmem>>, %arg2: memref<64x64xf32, #tpu.memory_space<vmem>>, %arg3: memref<64x128xf32, #tpu.memory_space<vmem>>, %arg4: memref<64x8192xf32, #tpu.memory_space<vmem>>, %arg5: memref<64x128xf32, #tpu.memory_space<vmem>>, %arg6: memref<64x128xf32, #tpu.memory_space<vmem>>, %arg7: memref<64x64xf32, #tpu.memory_space<vmem>>) attributes {dimension_semantics = [#tpu.dimension_semantics<arbitrary>], iteration_bounds = array<i64: 2>, scalar_prefetch = 0 : i64, scratch_operands = 1 : i64, tpu.core_type = #tpu.core_type<tc>, window_params = [{transform_indices = @transform_0, window_bounds = array<i64: 64, 8192>}, {pipeline_mode = #tpu.pipeline_mode<synchronous>, transform_indices = @transform_1, window_bounds = array<i64: 64, 64>}, {pipeline_mode = #tpu.pipeline_mode<synchronous>, transform_indices = @transform_2, window_bounds = array<i64: 64, 128>}, {transform_indices = @transform_3, window_bounds = array<i64: 64, 8192>}, {pipeline_mode = #tpu.pipeline_mode<synchronous>, transform_indices = @transform_4, window_bounds = array<i64: 64, 128>}, {pipeline_mode = #tpu.pipeline_mode<synchronous>, transform_indices = @transform_5, window_bounds = array<i64: 64, 128>}]} {
    %eq3A = arith.constant 0 : i32
    %eq3A_0 = arith.cmpi eq, %arg0, %eq3A : i32
    %convert_element_type3A = arith.extui %eq3A_0 : i1 to i32
    %cond3A = arith.constant 0 : i32
    %cond3A_1 = arith.cmpi ne, %convert_element_type3A, %cond3A : i32
    scf.if %cond3A_1 {
      %get3A_10 = arith.constant 0 : index
      %get3A_11 = arith.constant 0 : index
      %get3A_12 = vector.load %arg2[%get3A_10, %get3A_11] : memref<64x64xf32, #tpu.memory_space<vmem>>, vector<64x64xf32>
      %iota3A = tpu.iota {dimensions = array<i32: 0>} : vector<64x64xi32>
      %iota3A_13 = tpu.iota {dimensions = array<i32: 1>} : vector<64x64xi32>
      %eq3A_14 = arith.cmpi eq, %iota3A, %iota3A_13 : vector<64x64xi32>
      %convert_element_type3A_15 = arith.extui %eq3A_14 : vector<64x64xi1> to vector<64x64xi32>
      %convert_element_type3A_16 = arith.sitofp %convert_element_type3A_15 : vector<64x64xi32> to vector<64x64xf32>
      %add3A = arith.addf %convert_element_type3A_16, %get3A_12 : vector<64x64xf32>
      %dot_general3A_17 = arith.constant dense<0.000000e+00> : vector<64x64xf32>
      %dot_general3A_18 = tpu.matmul %get3A_12, %get3A_12, %dot_general3A_17 {dimension_numbers = #tpu.dot_dimension_numbers<[1], [0], [0], [1], [0, 0, 1, 1], [], []>, precision = #tpu.contract_precision<fp32>, transpose_lhs_hint = false} : vector<64x64xf32>, vector<64x64xf32>, vector<64x64xf32> -> vector<64x64xf32>
      %dot_general3A_19 = arith.constant dense<0.000000e+00> : vector<64x64xf32>
      %dot_general3A_20 = tpu.matmul %add3A, %dot_general3A_18, %dot_general3A_19 {dimension_numbers = #tpu.dot_dimension_numbers<[1], [0], [0], [1], [0, 0, 1, 1], [], []>, precision = #tpu.contract_precision<fp32>, transpose_lhs_hint = false} : vector<64x64xf32>, vector<64x64xf32>, vector<64x64xf32> -> vector<64x64xf32>
      %add3A_21 = arith.addf %add3A, %dot_general3A_20 : vector<64x64xf32>
      %dot_general3A_22 = arith.constant dense<0.000000e+00> : vector<64x64xf32>
      %dot_general3A_23 = tpu.matmul %dot_general3A_18, %dot_general3A_18, %dot_general3A_22 {dimension_numbers = #tpu.dot_dimension_numbers<[1], [0], [0], [1], [0, 0, 1, 1], [], []>, precision = #tpu.contract_precision<fp32>, transpose_lhs_hint = false} : vector<64x64xf32>, vector<64x64xf32>, vector<64x64xf32> -> vector<64x64xf32>
      %dot_general3A_24 = arith.constant dense<0.000000e+00> : vector<64x64xf32>
      %dot_general3A_25 = tpu.matmul %add3A_21, %dot_general3A_23, %dot_general3A_24 {dimension_numbers = #tpu.dot_dimension_numbers<[1], [0], [0], [1], [0, 0, 1, 1], [], []>, precision = #tpu.contract_precision<fp32>, transpose_lhs_hint = false} : vector<64x64xf32>, vector<64x64xf32>, vector<64x64xf32> -> vector<64x64xf32>
      %add3A_26 = arith.addf %add3A_21, %dot_general3A_25 : vector<64x64xf32>
      %dot_general3A_27 = arith.constant dense<0.000000e+00> : vector<64x64xf32>
      %dot_general3A_28 = tpu.matmul %dot_general3A_23, %dot_general3A_23, %dot_general3A_27 {dimension_numbers = #tpu.dot_dimension_numbers<[1], [0], [0], [1], [0, 0, 1, 1], [], []>, precision = #tpu.contract_precision<fp32>, transpose_lhs_hint = false} : vector<64x64xf32>, vector<64x64xf32>, vector<64x64xf32> -> vector<64x64xf32>
      %dot_general3A_29 = arith.constant dense<0.000000e+00> : vector<64x64xf32>
      %dot_general3A_30 = tpu.matmul %add3A_26, %dot_general3A_28, %dot_general3A_29 {dimension_numbers = #tpu.dot_dimension_numbers<[1], [0], [0], [1], [0, 0, 1, 1], [], []>, precision = #tpu.contract_precision<fp32>, transpose_lhs_hint = false} : vector<64x64xf32>, vector<64x64xf32>, vector<64x64xf32> -> vector<64x64xf32>
      %add3A_31 = arith.addf %add3A_26, %dot_general3A_30 : vector<64x64xf32>
      %dot_general3A_32 = arith.constant dense<0.000000e+00> : vector<64x64xf32>
      %dot_general3A_33 = tpu.matmul %dot_general3A_28, %dot_general3A_28, %dot_general3A_32 {dimension_numbers = #tpu.dot_dimension_numbers<[1], [0], [0], [1], [0, 0, 1, 1], [], []>, precision = #tpu.contract_precision<fp32>, transpose_lhs_hint = false} : vector<64x64xf32>, vector<64x64xf32>, vector<64x64xf32> -> vector<64x64xf32>
      %dot_general3A_34 = arith.constant dense<0.000000e+00> : vector<64x64xf32>
      %dot_general3A_35 = tpu.matmul %add3A_31, %dot_general3A_33, %dot_general3A_34 {dimension_numbers = #tpu.dot_dimension_numbers<[1], [0], [0], [1], [0, 0, 1, 1], [], []>, precision = #tpu.contract_precision<fp32>, transpose_lhs_hint = false} : vector<64x64xf32>, vector<64x64xf32>, vector<64x64xf32> -> vector<64x64xf32>
      %add3A_36 = arith.addf %add3A_31, %dot_general3A_35 : vector<64x64xf32>
      %dot_general3A_37 = arith.constant dense<0.000000e+00> : vector<64x64xf32>
      %dot_general3A_38 = tpu.matmul %dot_general3A_33, %dot_general3A_33, %dot_general3A_37 {dimension_numbers = #tpu.dot_dimension_numbers<[1], [0], [0], [1], [0, 0, 1, 1], [], []>, precision = #tpu.contract_precision<fp32>, transpose_lhs_hint = false} : vector<64x64xf32>, vector<64x64xf32>, vector<64x64xf32> -> vector<64x64xf32>
      %dot_general3A_39 = arith.constant dense<0.000000e+00> : vector<64x64xf32>
      %dot_general3A_40 = tpu.matmul %add3A_36, %dot_general3A_38, %dot_general3A_39 {dimension_numbers = #tpu.dot_dimension_numbers<[1], [0], [0], [1], [0, 0, 1, 1], [], []>, precision = #tpu.contract_precision<fp32>, transpose_lhs_hint = false} : vector<64x64xf32>, vector<64x64xf32>, vector<64x64xf32> -> vector<64x64xf32>
      %add3A_41 = arith.addf %add3A_36, %dot_general3A_40 : vector<64x64xf32>
      %dot_general3A_42 = arith.constant dense<0.000000e+00> : vector<64x64xf32>
      %dot_general3A_43 = tpu.matmul %dot_general3A_38, %dot_general3A_38, %dot_general3A_42 {dimension_numbers = #tpu.dot_dimension_numbers<[1], [0], [0], [1], [0, 0, 1, 1], [], []>, precision = #tpu.contract_precision<fp32>, transpose_lhs_hint = false} : vector<64x64xf32>, vector<64x64xf32>, vector<64x64xf32> -> vector<64x64xf32>
      %dot_general3A_44 = arith.constant dense<0.000000e+00> : vector<64x64xf32>
      %dot_general3A_45 = tpu.matmul %add3A_41, %dot_general3A_43, %dot_general3A_44 {dimension_numbers = #tpu.dot_dimension_numbers<[1], [0], [0], [1], [0, 0, 1, 1], [], []>, precision = #tpu.contract_precision<fp32>, transpose_lhs_hint = false} : vector<64x64xf32>, vector<64x64xf32>, vector<64x64xf32> -> vector<64x64xf32>
      %add3A_46 = arith.addf %add3A_41, %dot_general3A_45 : vector<64x64xf32>
      %swap3A_47 = arith.constant 0 : index
      %swap3A_48 = arith.constant 0 : index
      %swap3A_49 = vector.load %arg7[%swap3A_47, %swap3A_48] : memref<64x64xf32, #tpu.memory_space<vmem>>, vector<64x64xf32>
      tpu.vector_store %arg7[%swap3A_47, %swap3A_48], %add3A_46 {strides = array<i32>} : memref<64x64xf32, #tpu.memory_space<vmem>>, vector<64x64xf32>,
      %get3A_50 = arith.constant 0 : index
      %get3A_51 = arith.constant 0 : index
      %get3A_52 = vector.load %arg3[%get3A_50, %get3A_51] : memref<64x128xf32, #tpu.memory_space<vmem>>, vector<64x128xf32>
      %exp3A = math.exp %get3A_52 : vector<64x128xf32>
      %add3A_53 = arith.constant 1.000000e-03 : f32
      %add3A_54 = vector.broadcast %add3A_53 : f32 to vector<64x128xf32>
      %add3A_55 = arith.addf %exp3A, %add3A_54 : vector<64x128xf32>
      %swap3A_56 = arith.constant 0 : index
      %swap3A_57 = arith.constant 0 : index
      %swap3A_58 = vector.load %arg5[%swap3A_56, %swap3A_57] : memref<64x128xf32, #tpu.memory_space<vmem>>, vector<64x128xf32>
      tpu.vector_store %arg5[%swap3A_56, %swap3A_57], %add3A_55 {strides = array<i32>} : memref<64x128xf32, #tpu.memory_space<vmem>>, vector<64x128xf32>,
      %slice3A = vector.extract_strided_slice %get3A_52 {offsets = [0, 101], sizes = [64, 1], strides = [1, 1]} : vector<64x128xf32> to vector<64x1xf32>
      %iota3A_59 = tpu.iota {dimensions = array<i32: 0>} : vector<128x128xi32>
      %iota3A_60 = tpu.iota {dimensions = array<i32: 1>} : vector<128x128xi32>
      %ge3A = arith.constant 1 : i32
      %ge3A_61 = vector.broadcast %ge3A : i32 to vector<128x128xi32>
      %ge3A_62 = arith.cmpi sge, %iota3A_59, %ge3A_61 : vector<128x128xi32>
      %sub3A = arith.constant 1 : i32
      %sub3A_63 = vector.broadcast %sub3A : i32 to vector<128x128xi32>
      %sub3A_64 = arith.subi %iota3A_60, %sub3A_63 : vector<128x128xi32>
      %le3A = arith.cmpi sle, %iota3A_59, %sub3A_64 : vector<128x128xi32>
      %and3A = arith.andi %ge3A_62, %le3A : vector<128x128xi1>
      %convert_element_type3A_65 = arith.extui %and3A : vector<128x128xi1> to vector<128x128xi32>
      %convert_element_type3A_66 = arith.sitofp %convert_element_type3A_65 : vector<128x128xi32> to vector<128x128xf32>
      %dot_general3A_67 = arith.constant dense<0.000000e+00> : vector<64x128xf32>
      %dot_general3A_68 = tpu.matmul %add3A_55, %convert_element_type3A_66, %dot_general3A_67 {dimension_numbers = #tpu.dot_dimension_numbers<[1], [0], [0], [1], [0, 0, 1, 1], [], []>, precision = #tpu.contract_precision<fp32>, transpose_lhs_hint = false} : vector<64x128xf32>, vector<128x128xf32>, vector<64x128xf32> -> vector<64x128xf32>
      %mul3A = arith.constant 0.101010099 : f32
      %mul3A_69 = vector.broadcast %mul3A : f32 to vector<64x128xf32>
      %mul3A_70 = arith.mulf %mul3A_69, %dot_general3A_68 : vector<64x128xf32>
      %add3A_71 = vector.broadcast %slice3A : vector<64x1xf32> to vector<64x128xf32>
      %add3A_72 = arith.addf %add3A_71, %mul3A_70 : vector<64x128xf32>
      %iota3A_73 = tpu.iota {dimensions = array<i32: 1>} : vector<1x128xi32>
      %sub3A_74 = arith.constant 1 : i32
      %sub3A_75 = vector.broadcast %sub3A_74 : i32 to vector<1x128xi32>
      %sub3A_76 = arith.subi %iota3A_73, %sub3A_75 : vector<1x128xi32>
      %max3A = arith.constant 0 : i32
      %max3A_77 = vector.broadcast %max3A : i32 to vector<1x128xi32>
      %max3A_78 = arith.maxsi %sub3A_76, %max3A_77 : vector<1x128xi32>
      %convert_element_type3A_79 = arith.sitofp %max3A_78 : vector<1x128xi32> to vector<1x128xf32>
      %mul3A_80 = arith.constant 0.101010099 : f32
      %mul3A_81 = vector.broadcast %mul3A_80 : f32 to vector<1x128xf32>
      %mul3A_82 = arith.mulf %mul3A_81, %convert_element_type3A_79 : vector<1x128xf32>
      %add3A_83 = arith.constant -5.000000e+00 : f32
      %add3A_84 = vector.broadcast %add3A_83 : f32 to vector<1x128xf32>
      %add3A_85 = arith.addf %add3A_84, %mul3A_82 : vector<1x128xf32>
      %mul3A_86 = vector.broadcast %add3A_85 : vector<1x128xf32> to vector<64x128xf32>
      %mul3A_87 = arith.mulf %mul3A_86, %add3A_55 : vector<64x128xf32>
      %sub3A_88 = arith.subf %add3A_72, %mul3A_87 : vector<64x128xf32>
      %swap3A_89 = arith.constant 0 : index
      %swap3A_90 = arith.constant 0 : index
      %swap3A_91 = vector.load %arg6[%swap3A_89, %swap3A_90] : memref<64x128xf32, #tpu.memory_space<vmem>>, vector<64x128xf32>
      tpu.vector_store %arg6[%swap3A_89, %swap3A_90], %sub3A_88 {strides = array<i32>} : memref<64x128xf32, #tpu.memory_space<vmem>>, vector<64x128xf32>,
    } else {
    }
    %get3A = arith.constant 0 : index
    %get3A_2 = arith.constant 0 : index
    %get3A_3 = vector.load %arg7[%get3A, %get3A_2] : memref<64x64xf32, #tpu.memory_space<vmem>>, vector<64x64xf32>
    %get3A_4 = arith.constant 0 : index
    %get3A_5 = arith.constant 0 : index
    %get3A_6 = vector.load %arg1[%get3A_4, %get3A_5] : memref<64x8192xf32, #tpu.memory_space<vmem>>, vector<64x8192xf32>
    %dot_general3A = arith.constant dense<0.000000e+00> : vector<64x8192xf32>
    %dot_general3A_7 = tpu.matmul %get3A_3, %get3A_6, %dot_general3A {dimension_numbers = #tpu.dot_dimension_numbers<[0], [0], [1], [1], [0, 1, 1, 1], [], []>, transpose_lhs_hint = false} : vector<64x64xf32>, vector<64x8192xf32>, vector<64x8192xf32> -> vector<64x8192xf32>
    %swap3A = arith.constant 0 : index
    %swap3A_8 = arith.constant 0 : index
    %swap3A_9 = vector.load %arg4[%swap3A, %swap3A_8] : memref<64x8192xf32, #tpu.memory_space<vmem>>, vector<64x8192xf32>
    tpu.vector_store %arg4[%swap3A, %swap3A_8], %dot_general3A_7 {strides = array<i32>} : memref<64x8192xf32, #tpu.memory_space<vmem>>, vector<64x8192xf32>,
    return
  }
  func.func @transform_0(%arg0: i32) -> (i32, i32) {
    %c0_i32 = arith.constant 0 : i32
    %c0_i32_0 = arith.constant 0 : i32
    return %c0_i32, %arg0 : i32, i32
  }
  func.func @transform_1(%arg0: i32) -> (i32, i32) {
    %c0_i32 = arith.constant 0 : i32
    %c0_i32_0 = arith.constant 0 : i32
    %c0_i32_1 = arith.constant 0 : i32
    return %c0_i32, %c0_i32_0 : i32, i32
  }
  func.func @transform_2(%arg0: i32) -> (i32, i32) {
    %c0_i32 = arith.constant 0 : i32
    %c0_i32_0 = arith.constant 0 : i32
    %c0_i32_1 = arith.constant 0 : i32
    return %c0_i32, %c0_i32_0 : i32, i32
  }
  func.func @transform_3(%arg0: i32) -> (i32, i32) {
    %c0_i32 = arith.constant 0 : i32
    %c0_i32_0 = arith.constant 0 : i32
    return %c0_i32, %arg0 : i32, i32
  }
  func.func @transform_4(%arg0: i32) -> (i32, i32) {
    %c0_i32 = arith.constant 0 : i32
    %c0_i32_0 = arith.constant 0 : i32
    %c0_i32_1 = arith.constant 0 : i32
    return %c0_i32, %c0_i32_0 : i32, i32
  }
  func.func @transform_5(%arg0: i32) -> (i32, i32) {
    %c0_i32 = arith.constant 0 : i32
    %c0_i32_0 = arith.constant 0 : i32
    %c0_i32_1 = arith.constant 0 : i32
    return %c0_i32, %c0_i32_0 : i32, i32
  }
}

</mosaic_0001>

<sc_bundles>
// kernel: kernel.4.cloned.1.call-start
scs
__scs_entry_jumppad:
0x0: {  	(pc) =	sbr.rel $0x88, $3  }
0x1: {  	(tag) =	ssettag $0x0;
	lr =	simm.s32 $0x1  }
0x2: {  	[smem:$0x3F9D] =	sst lr;
	_ =	strace $0xD0000000  }
0x3: {  	_ = 	snop  }
0x4: {  	_ = 	snop  }
0x5: {  	_ = 	snop  }
0x6: {  	_ = 	snop  }
0x7: {  	_ = 	snop  }
__scs_overlays_trampoline_lowered:
0x8: {  	[smem:$0x3FAC] =	sst s0  }
0x9: {  	[smem:$0x3FAD] =	sst s1  }
0xa: {  	[smem:$0x3FAE] =	sst s2  }
0xb: {  	[smem:$0x3FAF] =	sst s3  }
0xc: {  	[smem:$0x3FB0] =	sst s4  }
0xd: {  	[smem:$0x3FB1] =	sst s5  }
0xe: {  	[smem:$0x3FB2] =	sst s6  }
0xf: {  	[smem:$0x3FB3] =	sst s7  }
0x10: {  	[smem:$0x3FB4] =	sst s8  }
0x11: {  	[smem:$0x3FB5] =	sst s9;
	s0 =	simm.s32 @!p0 $0x0  }
0x12: {  	s1 =	sld [smem:$0x3F9B];
	s0 =	simm.s32 @p0 $0x1  }
0x13: {  	[smem:$0x3FB6] =	sst s0;
	s0 =	simm.s32 @!p1 $0x0  }
0x14: {  	s2 =	sld [smem:$0x3F9A];
	s0 =	simm.s32 @p1 $0x1  }
0x15: {  	[smem:$0x3FB7] =	sst s0;
	s0 =	simm.s32 @!p2 $0x0  }
0x16: {  	s3 =	sld [smem:$0x3FDB];
	s0 =	simm.s32 @p2 $0x1  }
0x17: {  	s4 =	simm.s32 $0x1BF5;
	[smem:$0x3FB9] =	sst s0  }
0x18: {  	s0 =	sld [smem:$0x3F9C];
	_ =	swait.ge [sflag:s4], $0x0  }
0x19: {  	s7 =	sld [smem:$0x3F9D]  }
0x1a: {  	s8 =	sadd.s32 $0xFFFFE003, lr  }
0x1b: {  	s9 =	sadd.s32 $0xFFFFFEF7, lr;
	s5 =	simm.s32 $0xFFFFFFFF;
	p2 =	slt.u32 s8, $0xFFFFF086  }
0x1c: {  	p1 =	slt.u32 s9, $0xF7A;
	s5 =	simm.s32 @!p2 $0x0  }
0x1d: {  	s5 =	simm.s32 @p1 $0x1;
	p0 =	seq.s32 s7, s2  }
0x1e: {  	s7 =	smul.u32 @!p0 $0xF7A, s2;
	p2 =	seq.s32 @!p0 s5, $0x0  }
0x1f: {  	s9 =	smul.u32 $0xF7A, s1;
	s8 =	simm.s32 @!p0 $0x1BF5;
	p2 =	por !p2, p0  }
0x20: {  	[sflag:s8] =	ssyncset.s32 @!p0 $0xFFFFF086;
	s6 =	sadd.s32 @!p0 s3, s7;
	s7 =	simm.s32 @!p0 $0x108  }
0x21: {  	s3 =	sadd.s32 s3, s9;
	s6 =	sadd.s32 @!p0 $0x88, s6;
	s7 =	simm.s32 @p2 $0x1082  }
0x22: {  	[simem:s7], [sflag:s8] =	dma.local @!p0 [hbm:s6], $0xF7A  }
0x23: {  	s9 =	sor.u32 $0xD0000000, s2;
	s6 =	simm.s32 $0x108;
	_ =	swait.ge @!p0 [sflag:s8], $0x0  }
0x24: {  	s3 =	sadd.s32 $0x88, s3;
	s6 =	simm.s32 @!p1 $0x1082;
	[sflag:s4] =	ssyncset.s32 $0xFFFFF086  }
0x25: {  	[simem:s6], [sflag:s4] =	dma.local [hbm:s3], $0xF7A  }
0x26: {  	[smem:$0x3F9D] =	sst s1;
	(tag) =	ssettag s2;
	_ =	strace s9  }
0x27: {  	s1 =	sld [smem:$0x3FAD]  }
0x28: {  	s2 =	sld [smem:$0x3FAE]  }
0x29: {  	s4 =	sld [smem:$0x3FB0]  }
0x2a: {  	p0 =	seq.s32 s5, $0x0;
	s5 =	sld [smem:$0x3FB1]  }
0x2b: {  	s6 =	sld [smem:$0x3FB2]  }
0x2c: {  	s7 =	sld [smem:$0x3FB3]  }
0x2d: {  	s3 =	simm.s32 $0x108;
	s8 =	sld [smem:$0x3FB4]  }
0x2e: {  	s3 =	simm.s32 @!p0 $0x1082;
	s9 =	sld [smem:$0x3FB5]  }
0x2f: {  	lr =	sadd.s32 s0, s3;
	s0 =	sld [smem:$0x3FAC]  }
0x30: {  	s3 =	sld [smem:$0x3FAF]  }
0x31: {  	[smem:$0x3FB8] =	sst s10  }
0x32: {  	s10 =	sld [smem:$0x3FB6];
	_ =	sdelay $0x3  }
0x33: {  	p0 =	seq.s32 s10, $0x1;
	s10 =	sld [smem:$0x3FB8];
	_ =	sdelay $0x3  }
0x34: {  	[smem:$0x3FB8] =	sst s10  }
0x35: {  	s10 =	sld [smem:$0x3FB7];
	_ =	sdelay $0x3  }
0x36: {  	p1 =	seq.s32 s10, $0x1;
	s10 =	sld [smem:$0x3FB8];
	_ =	sdelay $0x3  }
0x37: {  	[smem:$0x3FB8] =	sst s10  }
0x38: {  	s10 =	sld [smem:$0x3FB9]  }
0x39: {  	_ = 	snop;
	(pc) =	sbr.ind lr, $3  }
0x3a: {  	_ = 	snop  }
0x3b: {  	_ = 	snop  }
0x3c: {  	p2 =	seq.s32 s10, $0x1;
	s10 =	sld [smem:$0x3FB8]  }
0x3d: {  	_ =	shalt  }
0x3e: {  	_ =	shalt  }
0x3f: {  	_ =	shalt  }
0x40: {  	_ =	shalt  }
0x41: {  	_ =	shalt  }
0x42: {  	_ =	shalt  }
0x43: {  	_ =	shalt  }
0x44: {  	_ =	shalt  }
0x45: {  	_ =	shalt  }
0x46: {  	_ =	shalt  }
0x47: {  	_ =	shalt  }
0x48: {  	_ =	shalt  }
0x49: {  	_ =	shalt  }
0x4a: {  	_ =	shalt  }
0x4b: {  	_ =	shalt  }
0x4c: {  	_ =	shalt  }
0x4d: {  	_ =	shalt  }
0x4e: {  	_ =	shalt  }
0x4f: {  	_ =	shalt  }
0x50: {  	_ =	shalt  }
0x51: {  	_ =	shalt  }
0x52: {  	_ =	shalt  }
0x53: {  	_ =	shalt  }
0x54: {  	_ =	shalt  }
0x55: {  	_ =	shalt  }
0x56: {  	_ =	shalt  }
0x57: {  	_ =	shalt  }
0x58: {  	_ =	shalt  }
0x59: {  	_ =	shalt  }
0x5a: {  	_ =	shalt  }
0x5b: {  	_ =	shalt  }
0x5c: {  	_ =	shalt  }
0x5d: {  	_ =	shalt  }
0x5e: {  	_ =	shalt  }
0x5f: {  	_ =	shalt  }
0x60: {  	_ =	shalt  }
0x61: {  	_ =	shalt  }
0x62: {  	_ =	shalt  }
0x63: {  	_ =	shalt  }
0x64: {  	_ =	shalt  }
0x65: {  	_ =	shalt  }
0x66: {  	_ =	shalt  }
0x67: {  	_ =	shalt  }
0x68: {  	_ =	shalt  }
0x69: {  	_ =	shalt  }
0x6a: {  	_ =	shalt  }
0x6b: {  	_ =	shalt  }
0x6c: {  	_ =	shalt  }
0x6d: {  	_ =	shalt  }
0x6e: {  	_ =	shalt  }
0x6f: {  	_ =	shalt  }
0x70: {  	_ =	shalt  }
0x71: {  	_ =	shalt  }
0x72: {  	_ =	shalt  }
0x73: {  	_ =	shalt  }
0x74: {  	_ =	shalt  }
0x75: {  	_ =	shalt  }
0x76: {  	_ =	shalt  }
0x77: {  	_ =	shalt  }
0x78: {  	_ =	shalt  }
0x79: {  	_ =	shalt  }
0x7a: {  	_ =	shalt  }
0x7b: {  	_ =	shalt  }
0x7c: {  	_ =	shalt  }
0x7d: {  	_ =	shalt  }
0x7e: {  	_ =	shalt  }
0x7f: {  	_ =	shalt  }
0x80: {  	_ =	shalt  }
0x81: {  	_ =	shalt  }
0x82: {  	_ =	shalt  }
0x83: {  	_ =	shalt  }
0x84: {  	_ =	shalt  }
0x85: {  	_ =	shalt  }
0x86: {  	_ =	shalt  }
0x87: {  	_ =	shalt  }
.Lfunc_end0:
.L_simem_size_0:
called_computation_lowered:
.L_overlay_start_0:
0x88: {  	s2 =	sld [smem:$0x3FD9]  }
0x89: {  	s3 =	sld [smem:$0x3FFE];
	_ =	sdelay $0x1  }
0x8a: {  	s1 =	srdreg.scid  }
0x8b: {  	s0 =	sand.u32 $0x1, s1  }
0x8c: {  	s17 =	sshll.u32 s0, $0xA;
	s2 =	sadd.s32 s3, s2  }
0x8d: {  	s2 =	sadd.s32 s2, s17  }
0x8e: {  	[smem:$0x3FC4] =	sst s2  }
0x8f: {  	_ = 	snop  }
0x90: {  	s2 =	sld [smem:$0x3FD0];
	(tm) =	ssettm $0x1  }
0x91: {  	s18 =	sld [smem:$0x3FFB];
	_ =	sdelay $0x3  }
0x92: {  	_ =	strace s18  }
0x93: {  	s3 =	sld [smem:$0x3FFC];
	_ =	sdelay $0x3  }
0x94: {  	_ =	strace s3  }
0x95: {  	s3 =	sld [smem:$0x3FFD];
	_ =	sdelay $0x3  }
0x96: {  	_ =	strace s3  }
0x97: {  	_ =	strace $0x8FFFFFFF  }
0x98: {  	s19 =	sld [smem:$0x3FDB];
	_ =	sdelay $0x1  }
0x99: {  	s4 =	simm.s32 $_scs_section_size  }
0x9a: {  	s5 =	simm.s32 $_size__tile_overlayer_lowered;
	s6 =	simm.s32 $_tile_overlayer_lowered  }
0x9b: {  	s22 =	simm.s32 $0x1BFF;
	s21 =	sshll.u32 s6, $0x1;
	s3 =	sadd.s32 s4, s19  }
0x9c: {  	s7 =	simm.s32 $0x0;
	s20 =	sshll.u32 s5, $0x1;
	s5 =	sadd.s32 s21, s3  }
0x9d: {  	[timem:s7], [sflag:s22] =	dma.local [hbm:s5], s20  }
0x9e: {  	_ =	swait.ge [sflag:s22], s20  }
0x9f: {  	s4 =	ssub.s32 $0x0, s20;
	[sflag:s22] =	ssyncset.done $0x0  }
0xa0: {  	[sflag:s22] =	ssyncadd.s32 s4;
	_ =	sdelay $0x1  }
0xa1: {  	s23 =	simm.s32 $0x1B8B  }
0xa2: {  	_ =	swait.ge [sflag:s23], $0x1  }
0xa3: {  	[sflag:s23] =	ssyncset.done $0x0  }
0xa4: {  	s25 =	simm.s32 $0x1B8E;
	s24 =	sld [smem:$0x3FFE];
	[sflag:s23] =	ssyncadd.s32 $0xFFFFFFFF  }
0xa5: {  	s26 =	simm.s32 $execute0_lowered;
	[smem:$0x3FD2] =	sst s25  }
0xa6: {  	s5 =	sshll.u32 s26, $0x1;
	_ =	strace $0x80000046;
	[dreg:$0x1] =	wrdreg $0xFFFFFFFF  }
0xa7: {  	s28 =	simm.s32 $_size_execute0_lowered;
	s3 =	sadd.s32 s3, s5;
	[dreg:$0x0] =	wrdreg $0x0  }
0xa8: {  	s5 =	sshll.u32 s28, $0x1;
	[dreg:$0x2] =	wrdreg s3  }
0xa9: {  	[dreg:$0x3] =	wrdreg s5  }
0xaa: {  	[dreg:$0x4] =	wrdreg $0xC0  }
0xab: {  	_ =	task [dreg:s7], $0x5FFFF  }
0xac: {  	[dreg:$0x1] =	wrdreg $0xFFFFFFFF  }
0xad: {  	[dreg:$0x0] =	wrdreg $0x60  }
0xae: {  	[dreg:$0x2] =	wrdreg s24  }
0xaf: {  	[dreg:$0x3] =	wrdreg s2  }
0xb0: {  	[dreg:$0x4] =	wrdreg $0x9  }
0xb1: {  	_ =	task.clear_ibuf [dreg:s7], $0x5FFFF;
	_ =	strace $0x90000046  }
0xb2: {  	s29 =	simm.s32 $0x9;
	_ =	strace $0x80000048  }
0xb3: {  	_ =	swait.ge [sflag:s29], $0x1  }
0xb4: {  	[sflag:s29] =	ssyncadd.s32 $0xFFFFFFFF  }
0xb5: {  	_ =	strace $0x90000048  }
0xb6: {  	_ =	sfence  }
0xb7: {  	s30 =	sld [smem:$0x0];
	_ =	sdelay $0x2  }
0xb8: {  	s31 =	sshll.u32 s1, $0xD;
	s1 =	sshrl.u32 s1, $0x2  }
0xb9: {  	s3 =	sand.u32 $0x4000, s31;
	s1 =	sadd.s32 s1, s30  }
0xba: {  	s0 =	sor.u32 s3, s0;
	s1 =	sshll.u32 s1, $0x11  }
0xbb: {  	s0 =	sor.u32 s1, s0  }
0xbc: {  	s0 =	sadd.s32 $0x8F2B, s0  }
0xbd: {  	[sflag:s0] =	ssyncadd.remote.s32 $0x1  }
0xbe: {  	_ =	sfence.sel $0xFFFF  }
0xbf: {  	[dreg:$0x0] =	wrdreg $0xFFFFFFFF;
	(pc) =	sbr.abs _section_cstart, $3  }
0xc0: {  	[dreg:$0x1] =	wrdreg $0xFFFFFFFF  }
0xc1: {  	_ =	task.clear_ibuf [dreg:s7], $0x2FFFF;
	_ =	strace $0x9FFFFFFF  }
0xc2: {  	(tm) =	ssettm $0x7FFFFFFF  }
0xc3: {  	_ =	shalt  }
tec
execute0_lowered:
.L_overlay_start_1:
0x0: {  	(tag) =	ssettag $0x1  }
0x1: {  	s4 =	rddreg [dreg:$0x0]  }
0x2: {  	s12 =	rddreg [dreg:$0x1]  }
0x3: {  	s0 =	rddreg [dreg:$0x2]  }
0x4: {  	s2 =	simm.s32 $0x0;
	s3 =	srdreg.scid;
	s1 =	stileid.u32  }
0x5: {  	s15 =	simm.s32 $0x5;
	s16 =	simm.s32 $0xA000;
	s17 =	simm.s32 $0x1  }
0x6: {  	s18 =	simm.s32 $0x2;
	s21 =	simm.s32 $0x0;
	[smem:$0x7FF] =	sst s2  }
0x7: {  	s5 =	sand.u32 $0x1, s3;
	s10 =	sadd.s32 $0x1000, s4;
	s6 =	sshll.u32 s1, $0x9  }
0x8: {  	s3 =	sadd.s32 $0x21000, s4;
	s30 =	sshll.u32 s1, $0x10;
	s7 =	sshll.u32 s5, $0x8  }
0x9: {  	s4 =	sadd.s32 $0x21400, s4;
	s5 =	ssub.s32 $0x2, s5;
	s19 =	sor.u32 s7, s6  }
0xa: {  	_ =	strace $0x80000047;
	s8 =	sshrl.u32 s5, $0x1;
	s7 =	sor.u32 s30, s19  }
0xb: {  	s20 =	sor.u32 $0x80, s19;
	s13 =	ssub.s32 s5, s8;
	v0 =	vmov s19;
	s19 =	simm.s32 $0x3  }
0xc: {  	s7 =	sand.u32 $0xE0300, s7;
	s6 =	sor.u32 s30, s20;
	s13 =	smax.u32 s13, $0x1  }
0xd: {  	v1 =	vmov s20;
	s20 =	simm.s32 $0x4;
	s7 =	sshrl.u32 s7, $0x3;
	s31 =	sand.u32 $0xE0380, s6  }
0xe: {  	s5 =	sadd.s32 s10, s7;
	s9 =	sor.u32 $0x2000, s7;
	s11 =	sshrl.u32 s31, $0x3  }
0xf: {  	s7 =	sadd.s32 s12, s7;
	s6 =	sadd.s32 s10, s9;
	s8 =	sadd.s32 s10, s11  }
0x10: {  	s9 =	sadd.s32 s12, s9;
	s14 =	sor.u32 $0x2000, s11;
	s11 =	sadd.s32 s12, s11  }
0x11: {  	s10 =	sadd.s32 s10, s14;
	s12 =	sadd.s32 s12, s14;
	s14 =	simm.s32 $0x8000  }
.LBB2_1:
0x12: {  	s22 =	simm.s32 $0x80  }
0x13: {  	s25 =	sadd.s32 $0x0, s5;
	s23 =	simm.s32 $0x100;
	s24 =	simm.s32 $0x0  }
.LBB2_2:
0x14: {  	[tilespmem:s24], [sflag:$0x1] =	stream.linear.gather [hbm4b:s25+s2], $0x80, $0x38;
	[tilespmem:$0xC000] =	vst v63  }
0x15: {  	s25 =	smov.u32 s22;
	s24 =	smov.u32 s23;
	p0 =	sne.s32 s22, $0x1F80  }
.Ltmp0:
0x16: {  	s22 =	sadd.s32 $0x80, s22;
	(pc) =	sbr.rel @p0 .LBB2_2-.Ltmp0, $2  }
0x17: {  	_ =	sdelay $0x2  }
0x18: {  	s23 =	sadd.s32 $0x100, s23;
	s25 =	sadd.s32 s25, s5  }
0x19: {  	[tilespmem:s24], [sflag:$0x1] =	stream.linear.gather [hbm4b:s25+s2], $0x80, $0x38;
	[tilespmem:$0xC000] =	vst v63  }
0x1a: {  	s22 =	simm.s32 $0x0  }
0x1b: {  	[tilespmem:s14], [sflag:$0x5] =	stream.linear.gather [hbm4b:s3+s22], $0x2000, $0x38;
	[tilespmem:$0xC000] =	vst v63  }
0x1c: {  	_ =	swait.ge [sflag:s15], $0x2000  }
0x1d: {  	[sflag:s15] =	ssyncset.done $0x0  }
0x1e: {  	[sflag:s15] =	ssyncadd.s32 $0xFFFFE000  }
0x1f: {  	[tilespmem:s16], [sflag:$0x5] =	stream.linear.gather [hbm4b:s4+s22], $0x2000, $0x38;
	[tilespmem:$0xC000] =	vst v63  }
0x20: {  	_ =	swait.ge [sflag:s15], $0x2000  }
0x21: {  	s23 =	simm.s32 $0x80;
	s25 =	sadd.s32 $0x0, s6;
	[sflag:s15] =	ssyncset.done $0x0  }
0x22: {  	s24 =	simm.s32 $0x180;
	s22 =	simm.s32 $0x80;
	[sflag:s15] =	ssyncadd.s32 $0xFFFFE000  }
.LBB2_4:
0x23: {  	[tilespmem:s22], [sflag:$0x2] =	stream.linear.gather [hbm4b:s25+s2], $0x80, $0x38;
	[tilespmem:$0xC000] =	vst v63  }
0x24: {  	s25 =	smov.u32 s23;
	s22 =	smov.u32 s24;
	p0 =	sne.s32 s23, $0x1F80  }
.Ltmp1:
0x25: {  	s23 =	sadd.s32 $0x80, s23;
	(pc) =	sbr.rel @p0 .LBB2_4-.Ltmp1, $2  }
0x26: {  	_ =	sdelay $0x2  }
0x27: {  	s24 =	sadd.s32 $0x100, s24;
	s25 =	sadd.s32 s25, s6  }
0x28: {  	[tilespmem:s22], [sflag:$0x2] =	stream.linear.gather [hbm4b:s25+s2], $0x80, $0x38;
	[tilespmem:$0xC000] =	vst v63  }
0x29: {  	_ =	swait.ge [sflag:s17], $0x2000  }
0x2a: {  	[sflag:s17] =	ssyncset.done $0x0  }
0x2b: {  	s31 =	simm.s32 $0x40;
	[sflag:s17] =	ssyncadd.s32 $0xFFFFE000  }
0x2c: {  	v7 =	vld [tilespmem:s31+$0x30];
	_ =	sdelay $0x1  }
0x2d: {  	v3 =	vld [tilespmem:s31+$0xFFFFFFC0]  }
0x2e: {  	v2 =	vld [tilespmem:s31+$0x20]  }
0x2f: {  	v6 =	vld [tilespmem:s31+$0xFFFFFFD0]  }
0x30: {  	v10 =	vld [tilespmem:s31+$0x10];
	v4 =	vmul.f32 $9.899999610e+00, v7;
	_ =	sdelay $0x1  }
0x31: {  	v8 =	vld [tilespmem:s31+$0xFFFFFFE0];
	v4 =	vadd.f32 $5.050000000e+01, v4;
	_ =	sdelay $0x1  }
0x32: {  	v9 =	vmul.f32 $9.899999610e+00, v2;
	v13 =	vmul.f32 $9.899999610e+00, v6;
	v4 =	vmax.f32 v4, $0.0e+00  }
0x33: {  	v5 =	vmul.f32 $9.899999610e+00, v3;
	v14 =	vmul.f32 $9.899999610e+00, v10;
	v4 =	vmin.f32 v4, $1.000000000e+02  }
0x34: {  	v12 =	vadd.f32 $5.050000000e+01, v9;
	v9 =	vld [tilespmem:s31+$0xFFFFFFF0];
	v13 =	vadd.f32 $5.050000000e+01, v13;
	v11 =	vtrunc.f32 v4  }
0x35: {  	v19 =	vmul.f32 $9.899999610e+00, v8;
	v4 =	vld [tilespmem:s31+$0x0];
	v11 =	vcvt.f32.s32 v11  }
0x36: {  	v5 =	vadd.f32 $5.050000000e+01, v5;
	v12 =	vmax.f32 v12, $0.0e+00;
	v13 =	vmax.f32 v13, $0.0e+00  }
0x37: {  	v12 =	vmin.f32 v12, $1.000000000e+02;
	v13 =	vmin.f32 v13, $1.000000000e+02;
	v11 =	vadd.s32 v11, v0  }
0x38: {  	s23 =	simm.s32 $0x140;
	v5 =	vmax.f32 v5, $0.0e+00;
	v15 =	vtrunc.f32 v12;
	v13 =	vtrunc.f32 v13  }
0x39: {  	v5 =	vmin.f32 v5, $1.000000000e+02;
	v12 =	vld [tilespmem:s23+$0x30];
	v17 =	vmul.f32 $9.899999610e+00, v9;
	v21 =	vcvt.f32.s32 v13  }
0x3a: {  	v14 =	vadd.f32 $5.050000000e+01, v14;
	v18 =	vtrunc.f32 v5;
	v5 =	vmul.f32 $9.899999610e+00, v4  }
0x3b: {  	v22 =	vcvt.f32.s32 v15;
	v13 =	vld [tilespmem:s23+$0x20];
	v15 =	vadd.f32 $5.050000000e+01, v17;
	v21 =	vadd.s32 v21, v0  }
0x3c: {  	v20 =	vadd.f32 $5.050000000e+01, v5;
	v5 =	vmax.f32 v14, $0.0e+00;
	v14 =	vadd.f32 $5.050000000e+01, v19;
	v16 =	vld.idx.msk [tilespmem:v11+s14+$0x0], $0xffff  }
0x3d: {  	v15 =	vmax.f32 v15, $0.0e+00;
	v19 =	vmin.f32 v5, $1.000000000e+02;
	v5 =	vld [tilespmem:s23+$0xFFFFFFC0]  }
0x3e: {  	v29 =	vmul.f32 $9.899999610e+00, v12;
	v23 =	vmin.f32 v15, $1.000000000e+02;
	v17 =	vld.idx.msk [tilespmem:v11+s16+$0x0], $0xffff;
	v11 =	vmax.f32 v14, $0.0e+00  }
0x3f: {  	v15 =	vld [tilespmem:s23+$0xFFFFFFF0];
	v26 =	vtrunc.f32 v23;
	v19 =	vtrunc.f32 v19;
	v11 =	vmin.f32 v11, $1.000000000e+02  }
0x40: {  	v22 =	vadd.s32 v22, v0;
	v23 =	vld.idx.msk [tilespmem:v21+s14+$0x0], $0xffff;
	v19 =	vcvt.f32.s32 v19;
	v24 =	vtrunc.f32 v11  }
0x41: {  	v30 =	vmul.f32 $9.899999610e+00, v13;
	v21 =	vld.idx.msk [tilespmem:v21+s16+$0x0], $0xffff;
	v20 =	vmax.f32 v20, $0.0e+00;
	v24 =	vcvt.f32.s32 v24  }
0x42: {  	v20 =	vmin.f32 v20, $1.000000000e+02;
	v11 =	vld [tilespmem:s23+$0x0];
	v25 =	vadd.s32 v19, v0;
	v27 =	vmul.f32 $9.899999610e+00, v5  }
0x43: {  	v30 =	vadd.f32 $5.050000000e+01, v30;
	v20 =	vtrunc.f32 v20;
	v19 =	vld [tilespmem:s23+$0x10];
	v28 =	vadd.s32 v24, v0  }
0x44: {  	v14 =	vld [tilespmem:s23+$0xFFFFFFE0];
	v24 =	vadd.f32 $5.050000000e+01, v27;
	v27 =	vadd.f32 $5.050000000e+01, v29;
	v29 =	vcvt.f32.s32 v26  }
0x45: {  	v18 =	vcvt.f32.s32 v18;
	v31 =	vcvt.f32.s32 v20;
	v20 =	vld.idx.msk [tilespmem:v22+s14+$0x0], $0xffff  }
0x46: {  	v30 =	vmax.f32 v30, $0.0e+00;
	v36 =	vmul.f32 $9.899999610e+00, v15;
	v22 =	vld.idx.msk [tilespmem:v22+s16+$0x0], $0xffff;
	v39 =	vadd.s32 v29, v0  }
0x47: {  	v41 =	vmul.f32 $9.899999610e+00, v11;
	v26 =	vld.idx.msk [tilespmem:v25+s14+$0x0], $0xffff;
	v24 =	vmax.f32 v24, $0.0e+00;
	v27 =	vmax.f32 v27, $0.0e+00  }
0x48: {  	v34 =	vmul.f32 $9.899999610e+00, v19;
	v29 =	vmin.f32 v24, $1.000000000e+02;
	v24 =	vld [tilespmem:s23+$0xFFFFFFD0];
	v27 =	vmin.f32 v27, $1.000000000e+02  }
0x49: {  	v25 =	vld.idx.msk [tilespmem:v25+s16+$0x0], $0xffff;
	v32 =	vtrunc.f32 v29;
	v29 =	vmin.f32 v30, $1.000000000e+02;
	v30 =	vadd.s32 v31, v0  }
0x4a: {  	v33 =	vadd.s32 v18, v0;
	v27 =	vtrunc.f32 v27;
	v40 =	vtrunc.f32 v29;
	v29 =	vld.idx.msk [tilespmem:v28+s14+$0x0], $0xffff  }
0x4b: {  	v38 =	vmul.f32 $9.899999610e+00, v14;
	v37 =	vadd.f32 $5.050000000e+01, v34;
	v35 =	vcvt.f32.s32 v27;
	v31 =	vld.idx.msk [tilespmem:v39+s14+$0x0], $0xffff  }
0x4c: {  	s22 =	simm.s32 $0x4040;
	s25 =	simm.s32 $0x8;
	s24 =	simm.s32 $0x4040;
	v34 =	vadd.f32 $5.050000000e+01, v41;
	v18 =	vcvt.f32.s32 v32;
	v32 =	vcvt.f32.s32 v40;
	v27 =	vld.idx.msk [tilespmem:v39+s16+$0x0], $0xffff  }
.LBB2_6:
0x4d: {  	s25 =	sadd.s32 $0x8, s25;
	v39 =	vmul.f32 $9.899999610e+00, v24;
	v36 =	vadd.f32 $5.050000000e+01, v36;
	v35 =	vadd.s32 v35, v0;
	v28 =	vld.idx.msk [tilespmem:v28+s16+$0x0], $0xffff;
	s22 =	sadd.s32 $0x100, s22  }
0x4e: {  	v37 =	vmax.f32 v37, $0.0e+00;
	p0 =	slt.u32 s25, $0x1F8;
	v38 =	vadd.f32 $5.050000000e+01, v38;
	v34 =	vmax.f32 v34, $0.0e+00;
	v40 =	vld.idx.msk [tilespmem:v30+s16+$0x0], $0xffff  }
0x4f: {  	s23 =	sadd.s32 $0x100, s23;
	v26 =	vmul.f32 v26, v10;
	v10 =	vmovc v19;
	v39 =	vadd.f32 $5.050000000e+01, v39;
	v36 =	vmax.f32 v36, $0.0e+00;
	v41 =	vld.idx.msk [tilespmem:v33+s16+$0x0], $0xffff  }
0x50: {  	v23 =	vmul.f32 v23, v6;
	v6 =	vmovc v24;
	v19 =	vmax.f32 v38, $0.0e+00;
	v36 =	vmin.f32 v36, $1.000000000e+02;
	v33 =	vld.idx.msk [tilespmem:v33+s14+$0x0], $0xffff  }
0x51: {  	v29 =	vmul.f32 v29, v8;
	v8 =	vmovc v14;
	v24 =	vld [tilespmem:s23+$0x30];
	v38 =	vmax.f32 v39, $0.0e+00;
	v19 =	vmin.f32 v19, $1.000000000e+02  }
0x52: {  	v36 =	vtrunc.f32 v36;
	v14 =	vmin.f32 v38, $1.000000000e+02;
	v38 =	vmul.f32 v16, v7;
	v16 =	vld.idx.msk [tilespmem:v35+s14+$0x0], $0xffff;
	v7 =	vmovc v12  }
0x53: {  	v31 =	vmul.f32 v31, v9;
	v9 =	vmovc v15;
	v12 =	vtrunc.f32 v14;
	v14 =	vmin.f32 v37, $1.000000000e+02;
	v30 =	vld.idx.msk [tilespmem:v30+s14+$0x0], $0xffff  }
0x54: {  	v34 =	vmin.f32 v34, $1.000000000e+02;
	v37 =	vld [tilespmem:s23+$0xFFFFFFC0];
	v39 =	vcvt.f32.s32 v12;
	v15 =	vadd.f32 v17, v38  }
0x55: {  	v21 =	vadd.f32 v21, v23;
	v23 =	vadd.f32 v25, v26;
	v14 =	vtrunc.f32 v14;
	v17 =	vld.idx.msk [tilespmem:v35+s16+$0x0], $0xffff  }
0x56: {  	v27 =	vadd.f32 v27, v31;
	v35 =	vcvt.f32.s32 v14;
	v25 =	vld [tilespmem:s23+$0x20];
	v26 =	vadd.s32 v39, v0;
	[tilespmem:s24+$0x30] =	vst v15;
	v12 =	vmovc v24  }
0x57: {  	v20 =	vmul.f32 v20, v2;
	v2 =	vmovc v13;
	v19 =	vtrunc.f32 v19;
	v31 =	vadd.s32 v32, v0;
	v14 =	vld [tilespmem:s23+$0xFFFFFFE0];
	[tilespmem:s24+$0xFFFFFFD0] =	vst v21  }
0x58: {  	v13 =	vmul.f32 v33, v3;
	v3 =	vmovc v5;
	v24 =	vtrunc.f32 v34;
	v32 =	vadd.s32 v35, v0;
	v15 =	vld [tilespmem:s23+$0xFFFFFFF0];
	[tilespmem:s24+$0x10] =	vst v23  }
0x59: {  	v29 =	vadd.f32 v28, v29;
	v34 =	vcvt.f32.s32 v19;
	v21 =	vmul.f32 $9.899999610e+00, v37;
	v33 =	vld [tilespmem:s23+$0x0];
	[tilespmem:s24+$0xFFFFFFF0] =	vst v27;
	v5 =	vmovc v37  }
0x5a: {  	v20 =	vadd.f32 v22, v20;
	v35 =	vadd.f32 v41, v13;
	v27 =	vmul.f32 $9.899999610e+00, v12;
	v19 =	vld [tilespmem:s23+$0x10]  }
0x5b: {  	v28 =	vadd.s32 v34, v0;
	v22 =	vmul.f32 $9.899999610e+00, v25;
	v23 =	vld.idx.msk [tilespmem:v26+s14+$0x0], $0xffff;
	[tilespmem:s24+$0xFFFFFFE0] =	vst v29;
	v29 =	vmul.f32 v30, v4  }
0x5c: {  	v34 =	vcvt.f32.s32 v36;
	v30 =	vadd.f32 $5.050000000e+01, v21;
	v27 =	vadd.f32 $5.050000000e+01, v27;
	v13 =	vmovc v25;
	v4 =	vmovc v11;
	v21 =	vld.idx.msk [tilespmem:v26+s16+$0x0], $0xffff;
	[tilespmem:s24+$0xFFFFFFC0] =	vst v35  }
0x5d: {  	v35 =	vcvt.f32.s32 v24;
	v22 =	vadd.f32 $5.050000000e+01, v22;
	v26 =	vld.idx.msk [tilespmem:v32+s14+$0x0], $0xffff;
	v25 =	vadd.f32 v40, v29;
	[tilespmem:s24+$0x20] =	vst v20  }
0x5e: {  	v39 =	vadd.s32 v34, v0;
	v24 =	vmax.f32 v30, $0.0e+00;
	v27 =	vmax.f32 v27, $0.0e+00;
	v20 =	vld.idx.msk [tilespmem:v31+s14+$0x0], $0xffff;
	v11 =	vmovc v33  }
0x5f: {  	v29 =	vmin.f32 v24, $1.000000000e+02;
	v27 =	vmin.f32 v27, $1.000000000e+02;
	v24 =	vld [tilespmem:s23+$0xFFFFFFD0];
	v22 =	vmax.f32 v22, $0.0e+00;
	[tilespmem:s24+$0x0] =	vst v25;
	s24 =	smov.u32 s22  }
.Ltmp2:
0x60: {  	v34 =	vtrunc.f32 v29;
	v27 =	vtrunc.f32 v27;
	v22 =	vmin.f32 v22, $1.000000000e+02;
	v25 =	vld.idx.msk [tilespmem:v32+s16+$0x0], $0xffff;
	(pc) =	sbr.rel @p0 .LBB2_6-.Ltmp2, $4  }
0x61: {  	v30 =	vadd.s32 v35, v0;
	v32 =	vmul.f32 $9.899999610e+00, v19;
	v40 =	vtrunc.f32 v22;
	v29 =	vld.idx.msk [tilespmem:v28+s14+$0x0], $0xffff  }
0x62: {  	v33 =	vadd.s32 v18, v0;
	v41 =	vmul.f32 $9.899999610e+00, v11;
	v35 =	vcvt.f32.s32 v27;
	v22 =	vld.idx.msk [tilespmem:v31+s16+$0x0], $0xffff  }
0x63: {  	v36 =	vmul.f32 $9.899999610e+00, v15;
	v18 =	vcvt.f32.s32 v34;
	v37 =	vadd.f32 $5.050000000e+01, v32;
	v31 =	vld.idx.msk [tilespmem:v39+s14+$0x0], $0xffff  }
0x64: {  	v38 =	vmul.f32 $9.899999610e+00, v14;
	v34 =	vadd.f32 $5.050000000e+01, v41;
	v32 =	vcvt.f32.s32 v40;
	v27 =	vld.idx.msk [tilespmem:v39+s16+$0x0], $0xffff  }
0x65: {  	_ =	sdelay $0x1  }
0x66: {  	v39 =	vmul.f32 $9.899999610e+00, v24  }
0x67: {  	v35 =	vadd.s32 v35, v0;
	v37 =	vmax.f32 v37, $0.0e+00;
	v36 =	vadd.f32 $5.050000000e+01, v36  }
0x68: {  	v28 =	vld.idx.msk [tilespmem:v28+s16+$0x0], $0xffff;
	v7 =	vmul.f32 v16, v7;
	v18 =	vadd.s32 v18, v0;
	v38 =	vadd.f32 $5.050000000e+01, v38  }
0x69: {  	v40 =	vld.idx.msk [tilespmem:v30+s16+$0x0], $0xffff;
	v37 =	vmin.f32 v37, $1.000000000e+02;
	v32 =	vadd.s32 v32, v0;
	v47 =	vmax.f32 v34, $0.0e+00  }
0x6a: {  	v63 =	vld.idx.msk [tilespmem:v33+s14+$0x0], $0xffff;
	v39 =	vadd.f32 $5.050000000e+01, v39;
	v37 =	vtrunc.f32 v37;
	v36 =	vmax.f32 v36, $0.0e+00  }
0x6b: {  	v45 =	vld.idx.msk [tilespmem:v30+s14+$0x0], $0xffff;
	v16 =	vmin.f32 v47, $1.000000000e+02;
	v38 =	vmax.f32 v38, $0.0e+00;
	v37 =	vcvt.f32.s32 v37  }
0x6c: {  	v41 =	vld.idx.msk [tilespmem:v33+s16+$0x0], $0xffff;
	v36 =	vmin.f32 v36, $1.000000000e+02;
	v16 =	vtrunc.f32 v16;
	v39 =	vmax.f32 v39, $0.0e+00  }
0x6d: {  	v38 =	vmin.f32 v38, $1.000000000e+02;
	v16 =	vcvt.f32.s32 v16;
	v42 =	vld.idx.msk [tilespmem:v35+s14+$0x0], $0xffff;
	v37 =	vadd.s32 v37, v0  }
0x6e: {  	v36 =	vtrunc.f32 v36;
	v39 =	vmin.f32 v39, $1.000000000e+02;
	v38 =	vtrunc.f32 v38;
	v35 =	vld.idx.msk [tilespmem:v35+s16+$0x0], $0xffff  }
0x6f: {  	v36 =	vcvt.f32.s32 v36;
	v3 =	vmul.f32 v63, v3;
	v57 =	vld.idx.msk [tilespmem:v18+s14+$0x0], $0xffff;
	v53 =	vadd.s32 v16, v0  }
0x70: {  	v4 =	vmul.f32 v45, v4;
	v58 =	vld.idx.msk [tilespmem:v18+s16+$0x0], $0xffff;
	v39 =	vtrunc.f32 v39  }
0x71: {  	v38 =	vcvt.f32.s32 v38;
	v50 =	vld.idx.msk [tilespmem:v32+s14+$0x0], $0xffff;
	v36 =	vadd.s32 v36, v0;
	v3 =	vadd.f32 v41, v3  }
0x72: {  	v6 =	vmul.f32 v23, v6;
	v39 =	vcvt.f32.s32 v39;
	v49 =	vld.idx.msk [tilespmem:v37+s14+$0x0], $0xffff  }
0x73: {  	v38 =	vadd.s32 v38, v0;
	[tilespmem:s24+$0xFFFFFFC0] =	vst v3;
	v3 =	vadd.f32 v40, v4;
	v51 =	vld.idx.msk [tilespmem:v37+s16+$0x0], $0xffff  }
0x74: {  	v10 =	vmul.f32 v26, v10;
	v7 =	vadd.f32 v17, v7;
	v39 =	vadd.s32 v39, v0;
	v60 =	vld.idx.msk [tilespmem:v53+s14+$0x0], $0xffff  }
0x75: {  	v2 =	vmul.f32 v20, v2;
	v6 =	vadd.f32 v21, v6;
	[tilespmem:s24+$0x0] =	vst v3;
	v3 =	vld.idx.msk [tilespmem:v32+s16+$0x0], $0xffff  }
0x76: {  	v10 =	vadd.f32 v25, v10;
	v9 =	vmul.f32 v31, v9;
	[tilespmem:s24+$0x30] =	vst v7;
	v54 =	vld.idx.msk [tilespmem:v36+s14+$0x0], $0xffff  }
0x77: {  	v8 =	vmul.f32 v29, v8;
	v2 =	vadd.f32 v22, v2;
	[tilespmem:s24+$0xFFFFFFD0] =	vst v6;
	v55 =	vld.idx.msk [tilespmem:v36+s16+$0x0], $0xffff  }
0x78: {  	[tilespmem:s24+$0x10] =	vst v10;
	v9 =	vadd.f32 v27, v9;
	v12 =	vmul.f32 v42, v12;
	v52 =	vld.idx.msk [tilespmem:v38+s14+$0x0], $0xffff  }
0x79: {  	[tilespmem:s24+$0x20] =	vst v2;
	v8 =	vadd.f32 v28, v8;
	v5 =	vmul.f32 v57, v5;
	v46 =	vld.idx.msk [tilespmem:v39+s14+$0x0], $0xffff  }
0x7a: {  	[tilespmem:s24+$0xFFFFFFF0] =	vst v9;
	v62 =	vmul.f32 v50, v13;
	v12 =	vadd.f32 v35, v12;
	v56 =	vld.idx.msk [tilespmem:v38+s16+$0x0], $0xffff  }
0x7b: {  	s23 =	sadd.s32 $0x100, s22;
	[tilespmem:s24+$0xFFFFFFE0] =	vst v8;
	v4 =	vadd.f32 v58, v5;
	v48 =	vld.idx.msk [tilespmem:v39+s16+$0x0], $0xffff;
	v2 =	vmul.f32 v49, v19  }
0x7c: {  	v6 =	vld.idx.msk [tilespmem:v53+s16+$0x0], $0xffff;
	[tilespmem:s23+$0x30] =	vst v12;
	v3 =	vadd.f32 v3, v62;
	v15 =	vmul.f32 v54, v15  }
0x7d: {  	[tilespmem:s23+$0xFFFFFFC0] =	vst v4;
	v2 =	vadd.f32 v51, v2;
	v7 =	vmul.f32 v52, v14  }
0x7e: {  	[tilespmem:s23+$0x20] =	vst v3;
	v59 =	vmul.f32 v46, v24;
	v10 =	vadd.f32 v55, v15  }
0x7f: {  	v63 =	vmul.f32 v60, v11;
	[tilespmem:s23+$0x10] =	vst v2;
	v2 =	vadd.f32 v56, v7  }
0x80: {  	v61 =	vadd.f32 v48, v59;
	[tilespmem:s23+$0xFFFFFFF0] =	vst v10  }
0x81: {  	[tilespmem:s23+$0xFFFFFFE0] =	vst v2;
	v2 =	vadd.f32 v6, v63  }
0x82: {  	s22 =	simm.s32 $0x4000;
	[tilespmem:s23+$0xFFFFFFD0] =	vst v61  }
0x83: {  	s25 =	sadd.s32 $0x0, s7;
	s24 =	simm.s32 $0x4100;
	[tilespmem:s23+$0x0] =	vst v2;
	s23 =	simm.s32 $0x80  }
.LBB2_8:
0x84: {  	[hbm4b:s25+s2] =	stream.linear.scatter [tilespmem:s22], [sflag:$0x3], $0x80, $0x38;
	[tilespmem:$0xC000] =	vst v63  }
0x85: {  	s25 =	smov.u32 s23;
	s22 =	smov.u32 s24;
	p0 =	sne.s32 s23, $0x1F80  }
.Ltmp3:
0x86: {  	s23 =	sadd.s32 $0x80, s23;
	(pc) =	sbr.rel @p0 .LBB2_8-.Ltmp3, $2  }
0x87: {  	_ =	sdelay $0x2  }
0x88: {  	s24 =	sadd.s32 $0x100, s24;
	s25 =	sadd.s32 s25, s7  }
0x89: {  	[hbm4b:s25+s2] =	stream.linear.scatter [tilespmem:s22], [sflag:$0x3], $0x80, $0x38;
	[tilespmem:$0xC000] =	vst v63  }
0x8a: {  	s22 =	simm.s32 $0x0  }
0x8b: {  	s23 =	simm.s32 $0x80;
	s25 =	sadd.s32 $0x0, s8;
	s24 =	simm.s32 $0x100  }
.LBB2_10:
0x8c: {  	[tilespmem:s22], [sflag:$0x1] =	stream.linear.gather [hbm4b:s25+s2], $0x80, $0x38;
	[tilespmem:$0xC000] =	vst v63  }
0x8d: {  	s25 =	smov.u32 s23;
	s22 =	smov.u32 s24;
	p0 =	sne.s32 s23, $0x1F80  }
.Ltmp4:
0x8e: {  	s23 =	sadd.s32 $0x80, s23;
	(pc) =	sbr.rel @p0 .LBB2_10-.Ltmp4, $2  }
0x8f: {  	_ =	sdelay $0x2  }
0x90: {  	s24 =	sadd.s32 $0x100, s24;
	s25 =	sadd.s32 s25, s8  }
0x91: {  	[tilespmem:s22], [sflag:$0x1] =	stream.linear.gather [hbm4b:s25+s2], $0x80, $0x38;
	[tilespmem:$0xC000] =	vst v63  }
0x92: {  	_ =	swait.ge [sflag:s18], $0x2000  }
0x93: {  	[sflag:s18] =	ssyncset.done $0x0  }
0x94: {  	s31 =	simm.s32 $0xF0;
	[sflag:s18] =	ssyncadd.s32 $0xFFFFE000  }
0x95: {  	v7 =	vld [tilespmem:s31+$0x0];
	_ =	sdelay $0x1  }
0x96: {  	v3 =	vld [tilespmem:s31+$0xFFFFFF90]  }
0x97: {  	v2 =	vld [tilespmem:s31+$0xFFFFFFF0]  }
0x98: {  	v6 =	vld [tilespmem:s31+$0xFFFFFFA0]  }
0x99: {  	v10 =	vld [tilespmem:s31+$0xFFFFFFE0];
	v4 =	vmul.f32 $9.899999610e+00, v7;
	_ =	sdelay $0x1  }
0x9a: {  	v8 =	vld [tilespmem:s31+$0xFFFFFFB0];
	v4 =	vadd.f32 $5.050000000e+01, v4;
	_ =	sdelay $0x1  }
0x9b: {  	v9 =	vmul.f32 $9.899999610e+00, v2;
	v13 =	vmul.f32 $9.899999610e+00, v6;
	v4 =	vmax.f32 v4, $0.0e+00  }
0x9c: {  	v5 =	vmul.f32 $9.899999610e+00, v3;
	v14 =	vmul.f32 $9.899999610e+00, v10;
	v4 =	vmin.f32 v4, $1.000000000e+02  }
0x9d: {  	v12 =	vadd.f32 $5.050000000e+01, v9;
	v9 =	vld [tilespmem:s31+$0xFFFFFFC0];
	v13 =	vadd.f32 $5.050000000e+01, v13;
	v11 =	vtrunc.f32 v4  }
0x9e: {  	v19 =	vmul.f32 $9.899999610e+00, v8;
	v4 =	vld [tilespmem:s31+$0xFFFFFFD0];
	v11 =	vcvt.f32.s32 v11  }
0x9f: {  	v5 =	vadd.f32 $5.050000000e+01, v5;
	v12 =	vmax.f32 v12, $0.0e+00;
	v13 =	vmax.f32 v13, $0.0e+00  }
0xa0: {  	v12 =	vmin.f32 v12, $1.000000000e+02;
	v13 =	vmin.f32 v13, $1.000000000e+02;
	v11 =	vadd.s32 v11, v0  }
0xa1: {  	s23 =	simm.s32 $0x1F0;
	v5 =	vmax.f32 v5, $0.0e+00;
	v15 =	vtrunc.f32 v12;
	v13 =	vtrunc.f32 v13  }
0xa2: {  	v5 =	vmin.f32 v5, $1.000000000e+02;
	v12 =	vld [tilespmem:s23+$0x0];
	v17 =	vmul.f32 $9.899999610e+00, v9;
	v21 =	vcvt.f32.s32 v13  }
0xa3: {  	v14 =	vadd.f32 $5.050000000e+01, v14;
	v18 =	vtrunc.f32 v5;
	v5 =	vmul.f32 $9.899999610e+00, v4  }
0xa4: {  	v22 =	vcvt.f32.s32 v15;
	v13 =	vld [tilespmem:s23+$0xFFFFFFF0];
	v15 =	vadd.f32 $5.050000000e+01, v17;
	v21 =	vadd.s32 v21, v0  }
0xa5: {  	v20 =	vadd.f32 $5.050000000e+01, v5;
	v5 =	vmax.f32 v14, $0.0e+00;
	v14 =	vadd.f32 $5.050000000e+01, v19;
	v16 =	vld.idx.msk [tilespmem:v11+s14+$0x0], $0xffff  }
0xa6: {  	v15 =	vmax.f32 v15, $0.0e+00;
	v19 =	vmin.f32 v5, $1.000000000e+02;
	v5 =	vld [tilespmem:s23+$0xFFFFFF90]  }
0xa7: {  	v29 =	vmul.f32 $9.899999610e+00, v12;
	v23 =	vmin.f32 v15, $1.000000000e+02;
	v17 =	vld.idx.msk [tilespmem:v11+s16+$0x0], $0xffff;
	v11 =	vmax.f32 v14, $0.0e+00  }
0xa8: {  	v15 =	vld [tilespmem:s23+$0xFFFFFFC0];
	v26 =	vtrunc.f32 v23;
	v19 =	vtrunc.f32 v19;
	v11 =	vmin.f32 v11, $1.000000000e+02  }
0xa9: {  	v22 =	vadd.s32 v22, v0;
	v23 =	vld.idx.msk [tilespmem:v21+s14+$0x0], $0xffff;
	v19 =	vcvt.f32.s32 v19;
	v24 =	vtrunc.f32 v11  }
0xaa: {  	v30 =	vmul.f32 $9.899999610e+00, v13;
	v21 =	vld.idx.msk [tilespmem:v21+s16+$0x0], $0xffff;
	v20 =	vmax.f32 v20, $0.0e+00;
	v24 =	vcvt.f32.s32 v24  }
0xab: {  	v20 =	vmin.f32 v20, $1.000000000e+02;
	v11 =	vld [tilespmem:s23+$0xFFFFFFD0];
	v25 =	vadd.s32 v19, v0;
	v27 =	vmul.f32 $9.899999610e+00, v5  }
0xac: {  	v30 =	vadd.f32 $5.050000000e+01, v30;
	v20 =	vtrunc.f32 v20;
	v19 =	vld [tilespmem:s23+$0xFFFFFFE0];
	v28 =	vadd.s32 v24, v0  }
0xad: {  	v14 =	vld [tilespmem:s23+$0xFFFFFFB0];
	v24 =	vadd.f32 $5.050000000e+01, v27;
	v27 =	vadd.f32 $5.050000000e+01, v29;
	v29 =	vcvt.f32.s32 v26  }
0xae: {  	v18 =	vcvt.f32.s32 v18;
	v31 =	vcvt.f32.s32 v20;
	v20 =	vld.idx.msk [tilespmem:v22+s14+$0x0], $0xffff  }
0xaf: {  	v30 =	vmax.f32 v30, $0.0e+00;
	v36 =	vmul.f32 $9.899999610e+00, v15;
	v22 =	vld.idx.msk [tilespmem:v22+s16+$0x0], $0xffff;
	v39 =	vadd.s32 v29, v0  }
0xb0: {  	v41 =	vmul.f32 $9.899999610e+00, v11;
	v26 =	vld.idx.msk [tilespmem:v25+s14+$0x0], $0xffff;
	v24 =	vmax.f32 v24, $0.0e+00;
	v27 =	vmax.f32 v27, $0.0e+00  }
0xb1: {  	v34 =	vmul.f32 $9.899999610e+00, v19;
	v29 =	vmin.f32 v24, $1.000000000e+02;
	v24 =	vld [tilespmem:s23+$0xFFFFFFA0];
	v27 =	vmin.f32 v27, $1.000000000e+02  }
0xb2: {  	v25 =	vld.idx.msk [tilespmem:v25+s16+$0x0], $0xffff;
	v32 =	vtrunc.f32 v29;
	v29 =	vmin.f32 v30, $1.000000000e+02;
	v30 =	vadd.s32 v31, v0  }
0xb3: {  	v33 =	vadd.s32 v18, v0;
	v27 =	vtrunc.f32 v27;
	v40 =	vtrunc.f32 v29;
	v29 =	vld.idx.msk [tilespmem:v28+s14+$0x0], $0xffff  }
0xb4: {  	v38 =	vmul.f32 $9.899999610e+00, v14;
	v37 =	vadd.f32 $5.050000000e+01, v34;
	v35 =	vcvt.f32.s32 v27;
	v31 =	vld.idx.msk [tilespmem:v39+s14+$0x0], $0xffff  }
0xb5: {  	s22 =	simm.s32 $0x40F0;
	s25 =	simm.s32 $0x8;
	s24 =	simm.s32 $0x40F0;
	v34 =	vadd.f32 $5.050000000e+01, v41;
	v18 =	vcvt.f32.s32 v32;
	v32 =	vcvt.f32.s32 v40;
	v27 =	vld.idx.msk [tilespmem:v39+s16+$0x0], $0xffff  }
.LBB2_12:
0xb6: {  	s25 =	sadd.s32 $0x8, s25;
	v39 =	vmul.f32 $9.899999610e+00, v24;
	v36 =	vadd.f32 $5.050000000e+01, v36;
	v35 =	vadd.s32 v35, v0;
	v28 =	vld.idx.msk [tilespmem:v28+s16+$0x0], $0xffff;
	s22 =	sadd.s32 $0x100, s22  }
0xb7: {  	v37 =	vmax.f32 v37, $0.0e+00;
	p0 =	slt.u32 s25, $0x1F8;
	v38 =	vadd.f32 $5.050000000e+01, v38;
	v34 =	vmax.f32 v34, $0.0e+00;
	v40 =	vld.idx.msk [tilespmem:v30+s16+$0x0], $0xffff  }
0xb8: {  	s23 =	sadd.s32 $0x100, s23;
	v26 =	vmul.f32 v26, v10;
	v10 =	vmovc v19;
	v39 =	vadd.f32 $5.050000000e+01, v39;
	v36 =	vmax.f32 v36, $0.0e+00;
	v41 =	vld.idx.msk [tilespmem:v33+s16+$0x0], $0xffff  }
0xb9: {  	v23 =	vmul.f32 v23, v6;
	v6 =	vmovc v24;
	v19 =	vmax.f32 v38, $0.0e+00;
	v36 =	vmin.f32 v36, $1.000000000e+02;
	v33 =	vld.idx.msk [tilespmem:v33+s14+$0x0], $0xffff  }
0xba: {  	v29 =	vmul.f32 v29, v8;
	v8 =	vmovc v14;
	v24 =	vld [tilespmem:s23+$0x0];
	v38 =	vmax.f32 v39, $0.0e+00;
	v19 =	vmin.f32 v19, $1.000000000e+02  }
0xbb: {  	v36 =	vtrunc.f32 v36;
	v14 =	vmin.f32 v38, $1.000000000e+02;
	v38 =	vmul.f32 v16, v7;
	v16 =	vld.idx.msk [tilespmem:v35+s14+$0x0], $0xffff;
	v7 =	vmovc v12  }
0xbc: {  	v31 =	vmul.f32 v31, v9;
	v9 =	vmovc v15;
	v12 =	vtrunc.f32 v14;
	v14 =	vmin.f32 v37, $1.000000000e+02;
	v30 =	vld.idx.msk [tilespmem:v30+s14+$0x0], $0xffff  }
0xbd: {  	v34 =	vmin.f32 v34, $1.000000000e+02;
	v37 =	vld [tilespmem:s23+$0xFFFFFF90];
	v39 =	vcvt.f32.s32 v12;
	v15 =	vadd.f32 v17, v38  }
0xbe: {  	v21 =	vadd.f32 v21, v23;
	v23 =	vadd.f32 v25, v26;
	v14 =	vtrunc.f32 v14;
	v17 =	vld.idx.msk [tilespmem:v35+s16+$0x0], $0xffff  }
0xbf: {  	v27 =	vadd.f32 v27, v31;
	v35 =	vcvt.f32.s32 v14;
	v25 =	vld [tilespmem:s23+$0xFFFFFFF0];
	v26 =	vadd.s32 v39, v0;
	[tilespmem:s24+$0x0] =	vst v15;
	v12 =	vmovc v24  }
0xc0: {  	v20 =	vmul.f32 v20, v2;
	v2 =	vmovc v13;
	v19 =	vtrunc.f32 v19;
	v31 =	vadd.s32 v32, v0;
	v14 =	vld [tilespmem:s23+$0xFFFFFFB0];
	[tilespmem:s24+$0xFFFFFFA0] =	vst v21  }
0xc1: {  	v13 =	vmul.f32 v33, v3;
	v3 =	vmovc v5;
	v24 =	vtrunc.f32 v34;
	v32 =	vadd.s32 v35, v0;
	v15 =	vld [tilespmem:s23+$0xFFFFFFC0];
	[tilespmem:s24+$0xFFFFFFE0] =	vst v23  }
0xc2: {  	v29 =	vadd.f32 v28, v29;
	v34 =	vcvt.f32.s32 v19;
	v21 =	vmul.f32 $9.899999610e+00, v37;
	v33 =	vld [tilespmem:s23+$0xFFFFFFD0];
	[tilespmem:s24+$0xFFFFFFC0] =	vst v27;
	v5 =	vmovc v37  }
0xc3: {  	v20 =	vadd.f32 v22, v20;
	v35 =	vadd.f32 v41, v13;
	v27 =	vmul.f32 $9.899999610e+00, v12;
	v19 =	vld [tilespmem:s23+$0xFFFFFFE0]  }
0xc4: {  	v28 =	vadd.s32 v34, v0;
	v22 =	vmul.f32 $9.899999610e+00, v25;
	v23 =	vld.idx.msk [tilespmem:v26+s14+$0x0], $0xffff;
	[tilespmem:s24+$0xFFFFFFB0] =	vst v29;
	v29 =	vmul.f32 v30, v4  }
0xc5: {  	v34 =	vcvt.f32.s32 v36;
	v30 =	vadd.f32 $5.050000000e+01, v21;
	v27 =	vadd.f32 $5.050000000e+01, v27;
	v13 =	vmovc v25;
	v4 =	vmovc v11;
	v21 =	vld.idx.msk [tilespmem:v26+s16+$0x0], $0xffff;
	[tilespmem:s24+$0xFFFFFF90] =	vst v35  }
0xc6: {  	v35 =	vcvt.f32.s32 v24;
	v22 =	vadd.f32 $5.050000000e+01, v22;
	v26 =	vld.idx.msk [tilespmem:v32+s14+$0x0], $0xffff;
	v25 =	vadd.f32 v40, v29;
	[tilespmem:s24+$0xFFFFFFF0] =	vst v20  }
0xc7: {  	v39 =	vadd.s32 v34, v0;
	v24 =	vmax.f32 v30, $0.0e+00;
	v27 =	vmax.f32 v27, $0.0e+00;
	v20 =	vld.idx.msk [tilespmem:v31+s14+$0x0], $0xffff;
	v11 =	vmovc v33  }
0xc8: {  	v29 =	vmin.f32 v24, $1.000000000e+02;
	v27 =	vmin.f32 v27, $1.000000000e+02;
	v24 =	vld [tilespmem:s23+$0xFFFFFFA0];
	v22 =	vmax.f32 v22, $0.0e+00;
	[tilespmem:s24+$0xFFFFFFD0] =	vst v25;
	s24 =	smov.u32 s22  }
.Ltmp5:
0xc9: {  	v34 =	vtrunc.f32 v29;
	v27 =	vtrunc.f32 v27;
	v22 =	vmin.f32 v22, $1.000000000e+02;
	v25 =	vld.idx.msk [tilespmem:v32+s16+$0x0], $0xffff;
	(pc) =	sbr.rel @p0 .LBB2_12-.Ltmp5, $4  }
0xca: {  	v30 =	vadd.s32 v35, v0;
	v32 =	vmul.f32 $9.899999610e+00, v19;
	v40 =	vtrunc.f32 v22;
	v29 =	vld.idx.msk [tilespmem:v28+s14+$0x0], $0xffff  }
0xcb: {  	v33 =	vadd.s32 v18, v0;
	v41 =	vmul.f32 $9.899999610e+00, v11;
	v35 =	vcvt.f32.s32 v27;
	v22 =	vld.idx.msk [tilespmem:v31+s16+$0x0], $0xffff  }
0xcc: {  	v36 =	vmul.f32 $9.899999610e+00, v15;
	v18 =	vcvt.f32.s32 v34;
	v37 =	vadd.f32 $5.050000000e+01, v32;
	v31 =	vld.idx.msk [tilespmem:v39+s14+$0x0], $0xffff  }
0xcd: {  	v38 =	vmul.f32 $9.899999610e+00, v14;
	v34 =	vadd.f32 $5.050000000e+01, v41;
	v32 =	vcvt.f32.s32 v40;
	v27 =	vld.idx.msk [tilespmem:v39+s16+$0x0], $0xffff  }
0xce: {  	_ =	sdelay $0x1  }
0xcf: {  	v39 =	vmul.f32 $9.899999610e+00, v24  }
0xd0: {  	v35 =	vadd.s32 v35, v0;
	v37 =	vmax.f32 v37, $0.0e+00;
	v36 =	vadd.f32 $5.050000000e+01, v36  }
0xd1: {  	v28 =	vld.idx.msk [tilespmem:v28+s16+$0x0], $0xffff;
	v7 =	vmul.f32 v16, v7;
	v18 =	vadd.s32 v18, v0;
	v38 =	vadd.f32 $5.050000000e+01, v38  }
0xd2: {  	v40 =	vld.idx.msk [tilespmem:v30+s16+$0x0], $0xffff;
	v37 =	vmin.f32 v37, $1.000000000e+02;
	v32 =	vadd.s32 v32, v0;
	v47 =	vmax.f32 v34, $0.0e+00  }
0xd3: {  	v63 =	vld.idx.msk [tilespmem:v33+s14+$0x0], $0xffff;
	v39 =	vadd.f32 $5.050000000e+01, v39;
	v37 =	vtrunc.f32 v37;
	v36 =	vmax.f32 v36, $0.0e+00  }
0xd4: {  	v45 =	vld.idx.msk [tilespmem:v30+s14+$0x0], $0xffff;
	v16 =	vmin.f32 v47, $1.000000000e+02;
	v38 =	vmax.f32 v38, $0.0e+00;
	v37 =	vcvt.f32.s32 v37  }
0xd5: {  	v41 =	vld.idx.msk [tilespmem:v33+s16+$0x0], $0xffff;
	v36 =	vmin.f32 v36, $1.000000000e+02;
	v16 =	vtrunc.f32 v16;
	v39 =	vmax.f32 v39, $0.0e+00  }
0xd6: {  	v38 =	vmin.f32 v38, $1.000000000e+02;
	v16 =	vcvt.f32.s32 v16;
	v42 =	vld.idx.msk [tilespmem:v35+s14+$0x0], $0xffff;
	v37 =	vadd.s32 v37, v0  }
0xd7: {  	v36 =	vtrunc.f32 v36;
	v39 =	vmin.f32 v39, $1.000000000e+02;
	v38 =	vtrunc.f32 v38;
	v35 =	vld.idx.msk [tilespmem:v35+s16+$0x0], $0xffff  }
0xd8: {  	v36 =	vcvt.f32.s32 v36;
	v3 =	vmul.f32 v63, v3;
	v57 =	vld.idx.msk [tilespmem:v18+s14+$0x0], $0xffff;
	v53 =	vadd.s32 v16, v0  }
0xd9: {  	v4 =	vmul.f32 v45, v4;
	v58 =	vld.idx.msk [tilespmem:v18+s16+$0x0], $0xffff;
	v39 =	vtrunc.f32 v39  }
0xda: {  	v38 =	vcvt.f32.s32 v38;
	v50 =	vld.idx.msk [tilespmem:v32+s14+$0x0], $0xffff;
	v36 =	vadd.s32 v36, v0;
	v3 =	vadd.f32 v41, v3  }
0xdb: {  	v6 =	vmul.f32 v23, v6;
	v39 =	vcvt.f32.s32 v39;
	v49 =	vld.idx.msk [tilespmem:v37+s14+$0x0], $0xffff  }
0xdc: {  	v38 =	vadd.s32 v38, v0;
	[tilespmem:s24+$0xFFFFFF90] =	vst v3;
	v3 =	vadd.f32 v40, v4;
	v51 =	vld.idx.msk [tilespmem:v37+s16+$0x0], $0xffff  }
0xdd: {  	v10 =	vmul.f32 v26, v10;
	v7 =	vadd.f32 v17, v7;
	v39 =	vadd.s32 v39, v0;
	v60 =	vld.idx.msk [tilespmem:v53+s14+$0x0], $0xffff  }
0xde: {  	v2 =	vmul.f32 v20, v2;
	v6 =	vadd.f32 v21, v6;
	[tilespmem:s24+$0xFFFFFFD0] =	vst v3;
	v3 =	vld.idx.msk [tilespmem:v32+s16+$0x0], $0xffff  }
0xdf: {  	v10 =	vadd.f32 v25, v10;
	v9 =	vmul.f32 v31, v9;
	[tilespmem:s24+$0x0] =	vst v7;
	v54 =	vld.idx.msk [tilespmem:v36+s14+$0x0], $0xffff  }
0xe0: {  	v8 =	vmul.f32 v29, v8;
	v2 =	vadd.f32 v22, v2;
	[tilespmem:s24+$0xFFFFFFA0] =	vst v6;
	v55 =	vld.idx.msk [tilespmem:v36+s16+$0x0], $0xffff  }
0xe1: {  	[tilespmem:s24+$0xFFFFFFE0] =	vst v10;
	v9 =	vadd.f32 v27, v9;
	v12 =	vmul.f32 v42, v12;
	v52 =	vld.idx.msk [tilespmem:v38+s14+$0x0], $0xffff  }
0xe2: {  	[tilespmem:s24+$0xFFFFFFF0] =	vst v2;
	v8 =	vadd.f32 v28, v8;
	v5 =	vmul.f32 v57, v5;
	v46 =	vld.idx.msk [tilespmem:v39+s14+$0x0], $0xffff  }
0xe3: {  	[tilespmem:s24+$0xFFFFFFC0] =	vst v9;
	v62 =	vmul.f32 v50, v13;
	v12 =	vadd.f32 v35, v12;
	v56 =	vld.idx.msk [tilespmem:v38+s16+$0x0], $0xffff  }
0xe4: {  	s23 =	sadd.s32 $0x100, s22;
	[tilespmem:s24+$0xFFFFFFB0] =	vst v8;
	v4 =	vadd.f32 v58, v5;
	v48 =	vld.idx.msk [tilespmem:v39+s16+$0x0], $0xffff;
	v2 =	vmul.f32 v49, v19  }
0xe5: {  	v6 =	vld.idx.msk [tilespmem:v53+s16+$0x0], $0xffff;
	[tilespmem:s23+$0x0] =	vst v12;
	v3 =	vadd.f32 v3, v62;
	v15 =	vmul.f32 v54, v15  }
0xe6: {  	[tilespmem:s23+$0xFFFFFF90] =	vst v4;
	v2 =	vadd.f32 v51, v2;
	v7 =	vmul.f32 v52, v14  }
0xe7: {  	[tilespmem:s23+$0xFFFFFFF0] =	vst v3;
	v59 =	vmul.f32 v46, v24;
	v10 =	vadd.f32 v55, v15  }
0xe8: {  	v63 =	vmul.f32 v60, v11;
	[tilespmem:s23+$0xFFFFFFE0] =	vst v2;
	v2 =	vadd.f32 v56, v7  }
0xe9: {  	v61 =	vadd.f32 v48, v59;
	[tilespmem:s23+$0xFFFFFFC0] =	vst v10  }
0xea: {  	[tilespmem:s23+$0xFFFFFFB0] =	vst v2;
	v2 =	vadd.f32 v6, v63  }
0xeb: {  	s22 =	simm.s32 $0x4080;
	[tilespmem:s23+$0xFFFFFFA0] =	vst v61  }
0xec: {  	s25 =	sadd.s32 $0x0, s9;
	s24 =	simm.s32 $0x4180;
	[tilespmem:s23+$0xFFFFFFD0] =	vst v2;
	s23 =	simm.s32 $0x80  }
.LBB2_14:
0xed: {  	[hbm4b:s25+s2] =	stream.linear.scatter [tilespmem:s22], [sflag:$0x4], $0x80, $0x38;
	[tilespmem:$0xC000] =	vst v63  }
0xee: {  	s25 =	smov.u32 s23;
	s22 =	smov.u32 s24;
	p0 =	sne.s32 s23, $0x1F80  }
.Ltmp6:
0xef: {  	s23 =	sadd.s32 $0x80, s23;
	(pc) =	sbr.rel @p0 .LBB2_14-.Ltmp6, $2  }
0xf0: {  	_ =	sdelay $0x2  }
0xf1: {  	s24 =	sadd.s32 $0x100, s24;
	s25 =	sadd.s32 s25, s9  }
0xf2: {  	[hbm4b:s25+s2] =	stream.linear.scatter [tilespmem:s22], [sflag:$0x4], $0x80, $0x38;
	[tilespmem:$0xC000] =	vst v63  }
0xf3: {  	s22 =	simm.s32 $0x80  }
0xf4: {  	s23 =	simm.s32 $0x80;
	s25 =	sadd.s32 $0x0, s10;
	s24 =	simm.s32 $0x180  }
.LBB2_16:
0xf5: {  	[tilespmem:s22], [sflag:$0x2] =	stream.linear.gather [hbm4b:s25+s2], $0x80, $0x38;
	[tilespmem:$0xC000] =	vst v63  }
0xf6: {  	s25 =	smov.u32 s23;
	s22 =	smov.u32 s24;
	p0 =	sne.s32 s23, $0x1F80  }
.Ltmp7:
0xf7: {  	s23 =	sadd.s32 $0x80, s23;
	(pc) =	sbr.rel @p0 .LBB2_16-.Ltmp7, $2  }
0xf8: {  	_ =	sdelay $0x2  }
0xf9: {  	s24 =	sadd.s32 $0x100, s24;
	s25 =	sadd.s32 s25, s10  }
0xfa: {  	[tilespmem:s22], [sflag:$0x2] =	stream.linear.gather [hbm4b:s25+s2], $0x80, $0x38;
	[tilespmem:$0xC000] =	vst v63  }
0xfb: {  	_ =	swait.ge [sflag:s17], $0x2000  }
0xfc: {  	[sflag:s17] =	ssyncset.done $0x0  }
0xfd: {  	[sflag:s17] =	ssyncadd.s32 $0xFFFFE000  }
0xfe: {  	_ =	swait.ge [sflag:s19], $0x2000  }
0xff: {  	[sflag:s19] =	ssyncset.done $0x0  }
0x100: {  	s31 =	simm.s32 $0x40;
	[sflag:s19] =	ssyncadd.s32 $0xFFFFE000  }
0x101: {  	v7 =	vld [tilespmem:s31+$0x30];
	_ =	sdelay $0x1  }
0x102: {  	v3 =	vld [tilespmem:s31+$0xFFFFFFC0]  }
0x103: {  	v2 =	vld [tilespmem:s31+$0x20]  }
0x104: {  	v6 =	vld [tilespmem:s31+$0xFFFFFFD0]  }
0x105: {  	v10 =	vld [tilespmem:s31+$0x10];
	v4 =	vmul.f32 $9.899999610e+00, v7;
	_ =	sdelay $0x1  }
0x106: {  	v8 =	vld [tilespmem:s31+$0xFFFFFFE0];
	v4 =	vadd.f32 $5.050000000e+01, v4;
	_ =	sdelay $0x1  }
0x107: {  	v9 =	vmul.f32 $9.899999610e+00, v2;
	v13 =	vmul.f32 $9.899999610e+00, v6;
	v4 =	vmax.f32 v4, $0.0e+00  }
0x108: {  	v5 =	vmul.f32 $9.899999610e+00, v3;
	v14 =	vmul.f32 $9.899999610e+00, v10;
	v4 =	vmin.f32 v4, $1.000000000e+02  }
0x109: {  	v12 =	vadd.f32 $5.050000000e+01, v9;
	v9 =	vld [tilespmem:s31+$0xFFFFFFF0];
	v13 =	vadd.f32 $5.050000000e+01, v13;
	v11 =	vtrunc.f32 v4  }
0x10a: {  	v19 =	vmul.f32 $9.899999610e+00, v8;
	v4 =	vld [tilespmem:s31+$0x0];
	v11 =	vcvt.f32.s32 v11  }
0x10b: {  	v5 =	vadd.f32 $5.050000000e+01, v5;
	v12 =	vmax.f32 v12, $0.0e+00;
	v13 =	vmax.f32 v13, $0.0e+00  }
0x10c: {  	v12 =	vmin.f32 v12, $1.000000000e+02;
	v13 =	vmin.f32 v13, $1.000000000e+02;
	v11 =	vadd.s32 v11, v1  }
0x10d: {  	s23 =	simm.s32 $0x140;
	v5 =	vmax.f32 v5, $0.0e+00;
	v15 =	vtrunc.f32 v12;
	v13 =	vtrunc.f32 v13  }
0x10e: {  	v5 =	vmin.f32 v5, $1.000000000e+02;
	v12 =	vld [tilespmem:s23+$0x30];
	v17 =	vmul.f32 $9.899999610e+00, v9;
	v21 =	vcvt.f32.s32 v13  }
0x10f: {  	v14 =	vadd.f32 $5.050000000e+01, v14;
	v18 =	vtrunc.f32 v5;
	v5 =	vmul.f32 $9.899999610e+00, v4  }
0x110: {  	v22 =	vcvt.f32.s32 v15;
	v13 =	vld [tilespmem:s23+$0x20];
	v15 =	vadd.f32 $5.050000000e+01, v17;
	v21 =	vadd.s32 v21, v1  }
0x111: {  	v20 =	vadd.f32 $5.050000000e+01, v5;
	v5 =	vmax.f32 v14, $0.0e+00;
	v14 =	vadd.f32 $5.050000000e+01, v19;
	v16 =	vld.idx.msk [tilespmem:v11+s14+$0x0], $0xffff  }
0x112: {  	v15 =	vmax.f32 v15, $0.0e+00;
	v19 =	vmin.f32 v5, $1.000000000e+02;
	v5 =	vld [tilespmem:s23+$0xFFFFFFC0]  }
0x113: {  	v29 =	vmul.f32 $9.899999610e+00, v12;
	v23 =	vmin.f32 v15, $1.000000000e+02;
	v17 =	vld.idx.msk [tilespmem:v11+s16+$0x0], $0xffff;
	v11 =	vmax.f32 v14, $0.0e+00  }
0x114: {  	v15 =	vld [tilespmem:s23+$0xFFFFFFF0];
	v26 =	vtrunc.f32 v23;
	v19 =	vtrunc.f32 v19;
	v11 =	vmin.f32 v11, $1.000000000e+02  }
0x115: {  	v22 =	vadd.s32 v22, v1;
	v23 =	vld.idx.msk [tilespmem:v21+s14+$0x0], $0xffff;
	v19 =	vcvt.f32.s32 v19;
	v24 =	vtrunc.f32 v11  }
0x116: {  	v30 =	vmul.f32 $9.899999610e+00, v13;
	v21 =	vld.idx.msk [tilespmem:v21+s16+$0x0], $0xffff;
	v20 =	vmax.f32 v20, $0.0e+00;
	v24 =	vcvt.f32.s32 v24  }
0x117: {  	v20 =	vmin.f32 v20, $1.000000000e+02;
	v11 =	vld [tilespmem:s23+$0x0];
	v25 =	vadd.s32 v19, v1;
	v27 =	vmul.f32 $9.899999610e+00, v5  }
0x118: {  	v30 =	vadd.f32 $5.050000000e+01, v30;
	v20 =	vtrunc.f32 v20;
	v19 =	vld [tilespmem:s23+$0x10];
	v28 =	vadd.s32 v24, v1  }
0x119: {  	v14 =	vld [tilespmem:s23+$0xFFFFFFE0];
	v24 =	vadd.f32 $5.050000000e+01, v27;
	v27 =	vadd.f32 $5.050000000e+01, v29;
	v29 =	vcvt.f32.s32 v26  }
0x11a: {  	v18 =	vcvt.f32.s32 v18;
	v31 =	vcvt.f32.s32 v20;
	v20 =	vld.idx.msk [tilespmem:v22+s14+$0x0], $0xffff  }
0x11b: {  	v30 =	vmax.f32 v30, $0.0e+00;
	v36 =	vmul.f32 $9.899999610e+00, v15;
	v22 =	vld.idx.msk [tilespmem:v22+s16+$0x0], $0xffff;
	v39 =	vadd.s32 v29, v1  }
0x11c: {  	v41 =	vmul.f32 $9.899999610e+00, v11;
	v26 =	vld.idx.msk [tilespmem:v25+s14+$0x0], $0xffff;
	v24 =	vmax.f32 v24, $0.0e+00;
	v27 =	vmax.f32 v27, $0.0e+00  }
0x11d: {  	v34 =	vmul.f32 $9.899999610e+00, v19;
	v29 =	vmin.f32 v24, $1.000000000e+02;
	v24 =	vld [tilespmem:s23+$0xFFFFFFD0];
	v27 =	vmin.f32 v27, $1.000000000e+02  }
0x11e: {  	v25 =	vld.idx.msk [tilespmem:v25+s16+$0x0], $0xffff;
	v32 =	vtrunc.f32 v29;
	v29 =	vmin.f32 v30, $1.000000000e+02;
	v30 =	vadd.s32 v31, v1  }
0x11f: {  	v33 =	vadd.s32 v18, v1;
	v27 =	vtrunc.f32 v27;
	v40 =	vtrunc.f32 v29;
	v29 =	vld.idx.msk [tilespmem:v28+s14+$0x0], $0xffff  }
0x120: {  	v38 =	vmul.f32 $9.899999610e+00, v14;
	v37 =	vadd.f32 $5.050000000e+01, v34;
	v35 =	vcvt.f32.s32 v27;
	v31 =	vld.idx.msk [tilespmem:v39+s14+$0x0], $0xffff  }
0x121: {  	s22 =	simm.s32 $0x4040;
	s25 =	simm.s32 $0x8;
	s24 =	simm.s32 $0x4040;
	v34 =	vadd.f32 $5.050000000e+01, v41;
	v18 =	vcvt.f32.s32 v32;
	v32 =	vcvt.f32.s32 v40;
	v27 =	vld.idx.msk [tilespmem:v39+s16+$0x0], $0xffff  }
.LBB2_18:
0x122: {  	s25 =	sadd.s32 $0x8, s25;
	v39 =	vmul.f32 $9.899999610e+00, v24;
	v36 =	vadd.f32 $5.050000000e+01, v36;
	v35 =	vadd.s32 v35, v1;
	v28 =	vld.idx.msk [tilespmem:v28+s16+$0x0], $0xffff;
	s22 =	sadd.s32 $0x100, s22  }
0x123: {  	v37 =	vmax.f32 v37, $0.0e+00;
	p0 =	slt.u32 s25, $0x1F8;
	v38 =	vadd.f32 $5.050000000e+01, v38;
	v34 =	vmax.f32 v34, $0.0e+00;
	v40 =	vld.idx.msk [tilespmem:v30+s16+$0x0], $0xffff  }
0x124: {  	s23 =	sadd.s32 $0x100, s23;
	v26 =	vmul.f32 v26, v10;
	v10 =	vmovc v19;
	v39 =	vadd.f32 $5.050000000e+01, v39;
	v36 =	vmax.f32 v36, $0.0e+00;
	v41 =	vld.idx.msk [tilespmem:v33+s16+$0x0], $0xffff  }
0x125: {  	v23 =	vmul.f32 v23, v6;
	v6 =	vmovc v24;
	v19 =	vmax.f32 v38, $0.0e+00;
	v36 =	vmin.f32 v36, $1.000000000e+02;
	v33 =	vld.idx.msk [tilespmem:v33+s14+$0x0], $0xffff  }
0x126: {  	v29 =	vmul.f32 v29, v8;
	v8 =	vmovc v14;
	v24 =	vld [tilespmem:s23+$0x30];
	v38 =	vmax.f32 v39, $0.0e+00;
	v19 =	vmin.f32 v19, $1.000000000e+02  }
0x127: {  	v36 =	vtrunc.f32 v36;
	v14 =	vmin.f32 v38, $1.000000000e+02;
	v38 =	vmul.f32 v16, v7;
	v16 =	vld.idx.msk [tilespmem:v35+s14+$0x0], $0xffff;
	v7 =	vmovc v12  }
0x128: {  	v31 =	vmul.f32 v31, v9;
	v9 =	vmovc v15;
	v12 =	vtrunc.f32 v14;
	v14 =	vmin.f32 v37, $1.000000000e+02;
	v30 =	vld.idx.msk [tilespmem:v30+s14+$0x0], $0xffff  }
0x129: {  	v34 =	vmin.f32 v34, $1.000000000e+02;
	v37 =	vld [tilespmem:s23+$0xFFFFFFC0];
	v39 =	vcvt.f32.s32 v12;
	v15 =	vadd.f32 v17, v38  }
0x12a: {  	v21 =	vadd.f32 v21, v23;
	v23 =	vadd.f32 v25, v26;
	v14 =	vtrunc.f32 v14;
	v17 =	vld.idx.msk [tilespmem:v35+s16+$0x0], $0xffff  }
0x12b: {  	v27 =	vadd.f32 v27, v31;
	v35 =	vcvt.f32.s32 v14;
	v25 =	vld [tilespmem:s23+$0x20];
	v26 =	vadd.s32 v39, v1;
	[tilespmem:s24+$0x30] =	vst v15;
	v12 =	vmovc v24  }
0x12c: {  	v20 =	vmul.f32 v20, v2;
	v2 =	vmovc v13;
	v19 =	vtrunc.f32 v19;
	v31 =	vadd.s32 v32, v1;
	v14 =	vld [tilespmem:s23+$0xFFFFFFE0];
	[tilespmem:s24+$0xFFFFFFD0] =	vst v21  }
0x12d: {  	v13 =	vmul.f32 v33, v3;
	v3 =	vmovc v5;
	v24 =	vtrunc.f32 v34;
	v32 =	vadd.s32 v35, v1;
	v15 =	vld [tilespmem:s23+$0xFFFFFFF0];
	[tilespmem:s24+$0x10] =	vst v23  }
0x12e: {  	v29 =	vadd.f32 v28, v29;
	v34 =	vcvt.f32.s32 v19;
	v21 =	vmul.f32 $9.899999610e+00, v37;
	v33 =	vld [tilespmem:s23+$0x0];
	[tilespmem:s24+$0xFFFFFFF0] =	vst v27;
	v5 =	vmovc v37  }
0x12f: {  	v20 =	vadd.f32 v22, v20;
	v35 =	vadd.f32 v41, v13;
	v27 =	vmul.f32 $9.899999610e+00, v12;
	v19 =	vld [tilespmem:s23+$0x10]  }
0x130: {  	v28 =	vadd.s32 v34, v1;
	v22 =	vmul.f32 $9.899999610e+00, v25;
	v23 =	vld.idx.msk [tilespmem:v26+s14+$0x0], $0xffff;
	[tilespmem:s24+$0xFFFFFFE0] =	vst v29;
	v29 =	vmul.f32 v30, v4  }
0x131: {  	v34 =	vcvt.f32.s32 v36;
	v30 =	vadd.f32 $5.050000000e+01, v21;
	v27 =	vadd.f32 $5.050000000e+01, v27;
	v13 =	vmovc v25;
	v4 =	vmovc v11;
	v21 =	vld.idx.msk [tilespmem:v26+s16+$0x0], $0xffff;
	[tilespmem:s24+$0xFFFFFFC0] =	vst v35  }
0x132: {  	v35 =	vcvt.f32.s32 v24;
	v22 =	vadd.f32 $5.050000000e+01, v22;
	v26 =	vld.idx.msk [tilespmem:v32+s14+$0x0], $0xffff;
	v25 =	vadd.f32 v40, v29;
	[tilespmem:s24+$0x20] =	vst v20  }
0x133: {  	v39 =	vadd.s32 v34, v1;
	v24 =	vmax.f32 v30, $0.0e+00;
	v27 =	vmax.f32 v27, $0.0e+00;
	v20 =	vld.idx.msk [tilespmem:v31+s14+$0x0], $0xffff;
	v11 =	vmovc v33  }
0x134: {  	v29 =	vmin.f32 v24, $1.000000000e+02;
	v27 =	vmin.f32 v27, $1.000000000e+02;
	v24 =	vld [tilespmem:s23+$0xFFFFFFD0];
	v22 =	vmax.f32 v22, $0.0e+00;
	[tilespmem:s24+$0x0] =	vst v25;
	s24 =	smov.u32 s22  }
.Ltmp8:
0x135: {  	v34 =	vtrunc.f32 v29;
	v27 =	vtrunc.f32 v27;
	v22 =	vmin.f32 v22, $1.000000000e+02;
	v25 =	vld.idx.msk [tilespmem:v32+s16+$0x0], $0xffff;
	(pc) =	sbr.rel @p0 .LBB2_18-.Ltmp8, $4  }
0x136: {  	v30 =	vadd.s32 v35, v1;
	v32 =	vmul.f32 $9.899999610e+00, v19;
	v40 =	vtrunc.f32 v22;
	v29 =	vld.idx.msk [tilespmem:v28+s14+$0x0], $0xffff  }
0x137: {  	v33 =	vadd.s32 v18, v1;
	v41 =	vmul.f32 $9.899999610e+00, v11;
	v35 =	vcvt.f32.s32 v27;
	v22 =	vld.idx.msk [tilespmem:v31+s16+$0x0], $0xffff  }
0x138: {  	v36 =	vmul.f32 $9.899999610e+00, v15;
	v18 =	vcvt.f32.s32 v34;
	v37 =	vadd.f32 $5.050000000e+01, v32;
	v31 =	vld.idx.msk [tilespmem:v39+s14+$0x0], $0xffff  }
0x139: {  	v38 =	vmul.f32 $9.899999610e+00, v14;
	v34 =	vadd.f32 $5.050000000e+01, v41;
	v32 =	vcvt.f32.s32 v40;
	v27 =	vld.idx.msk [tilespmem:v39+s16+$0x0], $0xffff  }
0x13a: {  	_ =	sdelay $0x1  }
0x13b: {  	v39 =	vmul.f32 $9.899999610e+00, v24  }
0x13c: {  	v35 =	vadd.s32 v35, v1;
	v37 =	vmax.f32 v37, $0.0e+00;
	v36 =	vadd.f32 $5.050000000e+01, v36  }
0x13d: {  	v28 =	vld.idx.msk [tilespmem:v28+s16+$0x0], $0xffff;
	v7 =	vmul.f32 v16, v7;
	v18 =	vadd.s32 v18, v1;
	v38 =	vadd.f32 $5.050000000e+01, v38  }
0x13e: {  	v40 =	vld.idx.msk [tilespmem:v30+s16+$0x0], $0xffff;
	v37 =	vmin.f32 v37, $1.000000000e+02;
	v32 =	vadd.s32 v32, v1;
	v47 =	vmax.f32 v34, $0.0e+00  }
0x13f: {  	v63 =	vld.idx.msk [tilespmem:v33+s14+$0x0], $0xffff;
	v39 =	vadd.f32 $5.050000000e+01, v39;
	v37 =	vtrunc.f32 v37;
	v36 =	vmax.f32 v36, $0.0e+00  }
0x140: {  	v45 =	vld.idx.msk [tilespmem:v30+s14+$0x0], $0xffff;
	v16 =	vmin.f32 v47, $1.000000000e+02;
	v38 =	vmax.f32 v38, $0.0e+00;
	v37 =	vcvt.f32.s32 v37  }
0x141: {  	v41 =	vld.idx.msk [tilespmem:v33+s16+$0x0], $0xffff;
	v36 =	vmin.f32 v36, $1.000000000e+02;
	v16 =	vtrunc.f32 v16;
	v39 =	vmax.f32 v39, $0.0e+00  }
0x142: {  	v38 =	vmin.f32 v38, $1.000000000e+02;
	v16 =	vcvt.f32.s32 v16;
	v42 =	vld.idx.msk [tilespmem:v35+s14+$0x0], $0xffff;
	v37 =	vadd.s32 v37, v1  }
0x143: {  	v36 =	vtrunc.f32 v36;
	v39 =	vmin.f32 v39, $1.000000000e+02;
	v38 =	vtrunc.f32 v38;
	v35 =	vld.idx.msk [tilespmem:v35+s16+$0x0], $0xffff  }
0x144: {  	v36 =	vcvt.f32.s32 v36;
	v3 =	vmul.f32 v63, v3;
	v57 =	vld.idx.msk [tilespmem:v18+s14+$0x0], $0xffff;
	v53 =	vadd.s32 v16, v1  }
0x145: {  	v4 =	vmul.f32 v45, v4;
	v58 =	vld.idx.msk [tilespmem:v18+s16+$0x0], $0xffff;
	v39 =	vtrunc.f32 v39  }
0x146: {  	v38 =	vcvt.f32.s32 v38;
	v50 =	vld.idx.msk [tilespmem:v32+s14+$0x0], $0xffff;
	v36 =	vadd.s32 v36, v1;
	v3 =	vadd.f32 v41, v3  }
0x147: {  	v6 =	vmul.f32 v23, v6;
	v39 =	vcvt.f32.s32 v39;
	v49 =	vld.idx.msk [tilespmem:v37+s14+$0x0], $0xffff  }
0x148: {  	v38 =	vadd.s32 v38, v1;
	[tilespmem:s24+$0xFFFFFFC0] =	vst v3;
	v3 =	vadd.f32 v40, v4;
	v51 =	vld.idx.msk [tilespmem:v37+s16+$0x0], $0xffff  }
0x149: {  	v10 =	vmul.f32 v26, v10;
	v7 =	vadd.f32 v17, v7;
	v39 =	vadd.s32 v39, v1;
	v60 =	vld.idx.msk [tilespmem:v53+s14+$0x0], $0xffff  }
0x14a: {  	v2 =	vmul.f32 v20, v2;
	v6 =	vadd.f32 v21, v6;
	[tilespmem:s24+$0x0] =	vst v3;
	v3 =	vld.idx.msk [tilespmem:v32+s16+$0x0], $0xffff  }
0x14b: {  	v10 =	vadd.f32 v25, v10;
	v9 =	vmul.f32 v31, v9;
	[tilespmem:s24+$0x30] =	vst v7;
	v54 =	vld.idx.msk [tilespmem:v36+s14+$0x0], $0xffff  }
0x14c: {  	v8 =	vmul.f32 v29, v8;
	v2 =	vadd.f32 v22, v2;
	[tilespmem:s24+$0xFFFFFFD0] =	vst v6;
	v55 =	vld.idx.msk [tilespmem:v36+s16+$0x0], $0xffff  }
0x14d: {  	[tilespmem:s24+$0x10] =	vst v10;
	v9 =	vadd.f32 v27, v9;
	v12 =	vmul.f32 v42, v12;
	v52 =	vld.idx.msk [tilespmem:v38+s14+$0x0], $0xffff  }
0x14e: {  	[tilespmem:s24+$0x20] =	vst v2;
	v8 =	vadd.f32 v28, v8;
	v5 =	vmul.f32 v57, v5;
	v46 =	vld.idx.msk [tilespmem:v39+s14+$0x0], $0xffff  }
0x14f: {  	[tilespmem:s24+$0xFFFFFFF0] =	vst v9;
	v62 =	vmul.f32 v50, v13;
	v12 =	vadd.f32 v35, v12;
	v56 =	vld.idx.msk [tilespmem:v38+s16+$0x0], $0xffff  }
0x150: {  	s23 =	sadd.s32 $0x100, s22;
	[tilespmem:s24+$0xFFFFFFE0] =	vst v8;
	v4 =	vadd.f32 v58, v5;
	v48 =	vld.idx.msk [tilespmem:v39+s16+$0x0], $0xffff;
	v2 =	vmul.f32 v49, v19  }
0x151: {  	v6 =	vld.idx.msk [tilespmem:v53+s16+$0x0], $0xffff;
	[tilespmem:s23+$0x30] =	vst v12;
	v3 =	vadd.f32 v3, v62;
	v15 =	vmul.f32 v54, v15  }
0x152: {  	[tilespmem:s23+$0xFFFFFFC0] =	vst v4;
	v2 =	vadd.f32 v51, v2;
	v7 =	vmul.f32 v52, v14  }
0x153: {  	[tilespmem:s23+$0x20] =	vst v3;
	v59 =	vmul.f32 v46, v24;
	v10 =	vadd.f32 v55, v15  }
0x154: {  	v63 =	vmul.f32 v60, v11;
	[tilespmem:s23+$0x10] =	vst v2;
	v2 =	vadd.f32 v56, v7  }
0x155: {  	v61 =	vadd.f32 v48, v59;
	[tilespmem:s23+$0xFFFFFFF0] =	vst v10  }
0x156: {  	[tilespmem:s23+$0xFFFFFFE0] =	vst v2;
	v2 =	vadd.f32 v6, v63  }
0x157: {  	s22 =	simm.s32 $0x4000;
	[tilespmem:s23+$0xFFFFFFD0] =	vst v61  }
0x158: {  	s25 =	sadd.s32 $0x0, s11;
	s24 =	simm.s32 $0x4100;
	[tilespmem:s23+$0x0] =	vst v2;
	s23 =	simm.s32 $0x80  }
.LBB2_20:
0x159: {  	[hbm4b:s25+s2] =	stream.linear.scatter [tilespmem:s22], [sflag:$0x3], $0x80, $0x38;
	[tilespmem:$0xC000] =	vst v63  }
0x15a: {  	s25 =	smov.u32 s23;
	s22 =	smov.u32 s24;
	p0 =	sne.s32 s23, $0x1F80  }
.Ltmp9:
0x15b: {  	s23 =	sadd.s32 $0x80, s23;
	(pc) =	sbr.rel @p0 .LBB2_20-.Ltmp9, $2  }
0x15c: {  	_ =	sdelay $0x2  }
0x15d: {  	s24 =	sadd.s32 $0x100, s24;
	s25 =	sadd.s32 s25, s11  }
0x15e: {  	[hbm4b:s25+s2] =	stream.linear.scatter [tilespmem:s22], [sflag:$0x3], $0x80, $0x38;
	[tilespmem:$0xC000] =	vst v63  }
0x15f: {  	_ =	swait.ge [sflag:s18], $0x2000  }
0x160: {  	[sflag:s18] =	ssyncset.done $0x0  }
0x161: {  	[sflag:s18] =	ssyncadd.s32 $0xFFFFE000  }
0x162: {  	_ =	swait.ge [sflag:s20], $0x2000  }
0x163: {  	[sflag:s20] =	ssyncset.done $0x0  }
0x164: {  	s31 =	simm.s32 $0xF0;
	[sflag:s20] =	ssyncadd.s32 $0xFFFFE000  }
0x165: {  	v7 =	vld [tilespmem:s31+$0x0];
	_ =	sdelay $0x1  }
0x166: {  	v3 =	vld [tilespmem:s31+$0xFFFFFF90]  }
0x167: {  	v2 =	vld [tilespmem:s31+$0xFFFFFFF0]  }
0x168: {  	v6 =	vld [tilespmem:s31+$0xFFFFFFA0]  }
0x169: {  	v10 =	vld [tilespmem:s31+$0xFFFFFFE0];
	v4 =	vmul.f32 $9.899999610e+00, v7;
	_ =	sdelay $0x1  }
0x16a: {  	v8 =	vld [tilespmem:s31+$0xFFFFFFB0];
	v4 =	vadd.f32 $5.050000000e+01, v4;
	_ =	sdelay $0x1  }
0x16b: {  	v9 =	vmul.f32 $9.899999610e+00, v2;
	v13 =	vmul.f32 $9.899999610e+00, v6;
	v4 =	vmax.f32 v4, $0.0e+00  }
0x16c: {  	v5 =	vmul.f32 $9.899999610e+00, v3;
	v14 =	vmul.f32 $9.899999610e+00, v10;
	v4 =	vmin.f32 v4, $1.000000000e+02  }
0x16d: {  	v12 =	vadd.f32 $5.050000000e+01, v9;
	v9 =	vld [tilespmem:s31+$0xFFFFFFC0];
	v13 =	vadd.f32 $5.050000000e+01, v13;
	v11 =	vtrunc.f32 v4  }
0x16e: {  	v19 =	vmul.f32 $9.899999610e+00, v8;
	v4 =	vld [tilespmem:s31+$0xFFFFFFD0];
	v11 =	vcvt.f32.s32 v11  }
0x16f: {  	v5 =	vadd.f32 $5.050000000e+01, v5;
	v12 =	vmax.f32 v12, $0.0e+00;
	v13 =	vmax.f32 v13, $0.0e+00  }
0x170: {  	v12 =	vmin.f32 v12, $1.000000000e+02;
	v13 =	vmin.f32 v13, $1.000000000e+02;
	v11 =	vadd.s32 v11, v1  }
0x171: {  	s23 =	simm.s32 $0x1F0;
	v5 =	vmax.f32 v5, $0.0e+00;
	v15 =	vtrunc.f32 v12;
	v13 =	vtrunc.f32 v13  }
0x172: {  	v5 =	vmin.f32 v5, $1.000000000e+02;
	v12 =	vld [tilespmem:s23+$0x0];
	v17 =	vmul.f32 $9.899999610e+00, v9;
	v21 =	vcvt.f32.s32 v13  }
0x173: {  	v14 =	vadd.f32 $5.050000000e+01, v14;
	v18 =	vtrunc.f32 v5;
	v5 =	vmul.f32 $9.899999610e+00, v4  }
0x174: {  	v22 =	vcvt.f32.s32 v15;
	v13 =	vld [tilespmem:s23+$0xFFFFFFF0];
	v15 =	vadd.f32 $5.050000000e+01, v17;
	v21 =	vadd.s32 v21, v1  }
0x175: {  	v20 =	vadd.f32 $5.050000000e+01, v5;
	v5 =	vmax.f32 v14, $0.0e+00;
	v14 =	vadd.f32 $5.050000000e+01, v19;
	v16 =	vld.idx.msk [tilespmem:v11+s14+$0x0], $0xffff  }
0x176: {  	v15 =	vmax.f32 v15, $0.0e+00;
	v19 =	vmin.f32 v5, $1.000000000e+02;
	v5 =	vld [tilespmem:s23+$0xFFFFFF90]  }
0x177: {  	v29 =	vmul.f32 $9.899999610e+00, v12;
	v23 =	vmin.f32 v15, $1.000000000e+02;
	v17 =	vld.idx.msk [tilespmem:v11+s16+$0x0], $0xffff;
	v11 =	vmax.f32 v14, $0.0e+00  }
0x178: {  	v15 =	vld [tilespmem:s23+$0xFFFFFFC0];
	v26 =	vtrunc.f32 v23;
	v19 =	vtrunc.f32 v19;
	v11 =	vmin.f32 v11, $1.000000000e+02  }
0x179: {  	v22 =	vadd.s32 v22, v1;
	v23 =	vld.idx.msk [tilespmem:v21+s14+$0x0], $0xffff;
	v19 =	vcvt.f32.s32 v19;
	v24 =	vtrunc.f32 v11  }
0x17a: {  	v30 =	vmul.f32 $9.899999610e+00, v13;
	v21 =	vld.idx.msk [tilespmem:v21+s16+$0x0], $0xffff;
	v20 =	vmax.f32 v20, $0.0e+00;
	v24 =	vcvt.f32.s32 v24  }
0x17b: {  	v20 =	vmin.f32 v20, $1.000000000e+02;
	v11 =	vld [tilespmem:s23+$0xFFFFFFD0];
	v25 =	vadd.s32 v19, v1;
	v27 =	vmul.f32 $9.899999610e+00, v5  }
0x17c: {  	v30 =	vadd.f32 $5.050000000e+01, v30;
	v20 =	vtrunc.f32 v20;
	v19 =	vld [tilespmem:s23+$0xFFFFFFE0];
	v28 =	vadd.s32 v24, v1  }
0x17d: {  	v14 =	vld [tilespmem:s23+$0xFFFFFFB0];
	v24 =	vadd.f32 $5.050000000e+01, v27;
	v27 =	vadd.f32 $5.050000000e+01, v29;
	v29 =	vcvt.f32.s32 v26  }
0x17e: {  	v18 =	vcvt.f32.s32 v18;
	v31 =	vcvt.f32.s32 v20;
	v20 =	vld.idx.msk [tilespmem:v22+s14+$0x0], $0xffff  }
0x17f: {  	v30 =	vmax.f32 v30, $0.0e+00;
	v36 =	vmul.f32 $9.899999610e+00, v15;
	v22 =	vld.idx.msk [tilespmem:v22+s16+$0x0], $0xffff;
	v39 =	vadd.s32 v29, v1  }
0x180: {  	v41 =	vmul.f32 $9.899999610e+00, v11;
	v26 =	vld.idx.msk [tilespmem:v25+s14+$0x0], $0xffff;
	v24 =	vmax.f32 v24, $0.0e+00;
	v27 =	vmax.f32 v27, $0.0e+00  }
0x181: {  	v34 =	vmul.f32 $9.899999610e+00, v19;
	v29 =	vmin.f32 v24, $1.000000000e+02;
	v24 =	vld [tilespmem:s23+$0xFFFFFFA0];
	v27 =	vmin.f32 v27, $1.000000000e+02  }
0x182: {  	v25 =	vld.idx.msk [tilespmem:v25+s16+$0x0], $0xffff;
	v32 =	vtrunc.f32 v29;
	v29 =	vmin.f32 v30, $1.000000000e+02;
	v30 =	vadd.s32 v31, v1  }
0x183: {  	v33 =	vadd.s32 v18, v1;
	v27 =	vtrunc.f32 v27;
	v40 =	vtrunc.f32 v29;
	v29 =	vld.idx.msk [tilespmem:v28+s14+$0x0], $0xffff  }
0x184: {  	v38 =	vmul.f32 $9.899999610e+00, v14;
	v37 =	vadd.f32 $5.050000000e+01, v34;
	v35 =	vcvt.f32.s32 v27;
	v31 =	vld.idx.msk [tilespmem:v39+s14+$0x0], $0xffff  }
0x185: {  	s22 =	simm.s32 $0x40F0;
	s25 =	simm.s32 $0x8;
	s24 =	simm.s32 $0x40F0;
	v34 =	vadd.f32 $5.050000000e+01, v41;
	v18 =	vcvt.f32.s32 v32;
	v32 =	vcvt.f32.s32 v40;
	v27 =	vld.idx.msk [tilespmem:v39+s16+$0x0], $0xffff  }
.LBB2_22:
0x186: {  	s25 =	sadd.s32 $0x8, s25;
	v39 =	vmul.f32 $9.899999610e+00, v24;
	v36 =	vadd.f32 $5.050000000e+01, v36;
	v35 =	vadd.s32 v35, v1;
	v28 =	vld.idx.msk [tilespmem:v28+s16+$0x0], $0xffff;
	s22 =	sadd.s32 $0x100, s22  }
0x187: {  	v37 =	vmax.f32 v37, $0.0e+00;
	p0 =	slt.u32 s25, $0x1F8;
	v38 =	vadd.f32 $5.050000000e+01, v38;
	v34 =	vmax.f32 v34, $0.0e+00;
	v40 =	vld.idx.msk [tilespmem:v30+s16+$0x0], $0xffff  }
0x188: {  	s23 =	sadd.s32 $0x100, s23;
	v26 =	vmul.f32 v26, v10;
	v10 =	vmovc v19;
	v39 =	vadd.f32 $5.050000000e+01, v39;
	v36 =	vmax.f32 v36, $0.0e+00;
	v41 =	vld.idx.msk [tilespmem:v33+s16+$0x0], $0xffff  }
0x189: {  	v23 =	vmul.f32 v23, v6;
	v6 =	vmovc v24;
	v19 =	vmax.f32 v38, $0.0e+00;
	v36 =	vmin.f32 v36, $1.000000000e+02;
	v33 =	vld.idx.msk [tilespmem:v33+s14+$0x0], $0xffff  }
0x18a: {  	v29 =	vmul.f32 v29, v8;
	v8 =	vmovc v14;
	v24 =	vld [tilespmem:s23+$0x0];
	v38 =	vmax.f32 v39, $0.0e+00;
	v19 =	vmin.f32 v19, $1.000000000e+02  }
0x18b: {  	v36 =	vtrunc.f32 v36;
	v14 =	vmin.f32 v38, $1.000000000e+02;
	v38 =	vmul.f32 v16, v7;
	v16 =	vld.idx.msk [tilespmem:v35+s14+$0x0], $0xffff;
	v7 =	vmovc v12  }
0x18c: {  	v31 =	vmul.f32 v31, v9;
	v9 =	vmovc v15;
	v12 =	vtrunc.f32 v14;
	v14 =	vmin.f32 v37, $1.000000000e+02;
	v30 =	vld.idx.msk [tilespmem:v30+s14+$0x0], $0xffff  }
0x18d: {  	v34 =	vmin.f32 v34, $1.000000000e+02;
	v37 =	vld [tilespmem:s23+$0xFFFFFF90];
	v39 =	vcvt.f32.s32 v12;
	v15 =	vadd.f32 v17, v38  }
0x18e: {  	v21 =	vadd.f32 v21, v23;
	v23 =	vadd.f32 v25, v26;
	v14 =	vtrunc.f32 v14;
	v17 =	vld.idx.msk [tilespmem:v35+s16+$0x0], $0xffff  }
0x18f: {  	v27 =	vadd.f32 v27, v31;
	v35 =	vcvt.f32.s32 v14;
	v25 =	vld [tilespmem:s23+$0xFFFFFFF0];
	v26 =	vadd.s32 v39, v1;
	[tilespmem:s24+$0x0] =	vst v15;
	v12 =	vmovc v24  }
0x190: {  	v20 =	vmul.f32 v20, v2;
	v2 =	vmovc v13;
	v19 =	vtrunc.f32 v19;
	v31 =	vadd.s32 v32, v1;
	v14 =	vld [tilespmem:s23+$0xFFFFFFB0];
	[tilespmem:s24+$0xFFFFFFA0] =	vst v21  }
0x191: {  	v13 =	vmul.f32 v33, v3;
	v3 =	vmovc v5;
	v24 =	vtrunc.f32 v34;
	v32 =	vadd.s32 v35, v1;
	v15 =	vld [tilespmem:s23+$0xFFFFFFC0];
	[tilespmem:s24+$0xFFFFFFE0] =	vst v23  }
0x192: {  	v29 =	vadd.f32 v28, v29;
	v34 =	vcvt.f32.s32 v19;
	v21 =	vmul.f32 $9.899999610e+00, v37;
	v33 =	vld [tilespmem:s23+$0xFFFFFFD0];
	[tilespmem:s24+$0xFFFFFFC0] =	vst v27;
	v5 =	vmovc v37  }
0x193: {  	v20 =	vadd.f32 v22, v20;
	v35 =	vadd.f32 v41, v13;
	v27 =	vmul.f32 $9.899999610e+00, v12;
	v19 =	vld [tilespmem:s23+$0xFFFFFFE0]  }
0x194: {  	v28 =	vadd.s32 v34, v1;
	v22 =	vmul.f32 $9.899999610e+00, v25;
	v23 =	vld.idx.msk [tilespmem:v26+s14+$0x0], $0xffff;
	[tilespmem:s24+$0xFFFFFFB0] =	vst v29;
	v29 =	vmul.f32 v30, v4  }
0x195: {  	v34 =	vcvt.f32.s32 v36;
	v30 =	vadd.f32 $5.050000000e+01, v21;
	v27 =	vadd.f32 $5.050000000e+01, v27;
	v13 =	vmovc v25;
	v4 =	vmovc v11;
	v21 =	vld.idx.msk [tilespmem:v26+s16+$0x0], $0xffff;
	[tilespmem:s24+$0xFFFFFF90] =	vst v35  }
0x196: {  	v35 =	vcvt.f32.s32 v24;
	v22 =	vadd.f32 $5.050000000e+01, v22;
	v26 =	vld.idx.msk [tilespmem:v32+s14+$0x0], $0xffff;
	v25 =	vadd.f32 v40, v29;
	[tilespmem:s24+$0xFFFFFFF0] =	vst v20  }
0x197: {  	v39 =	vadd.s32 v34, v1;
	v24 =	vmax.f32 v30, $0.0e+00;
	v27 =	vmax.f32 v27, $0.0e+00;
	v20 =	vld.idx.msk [tilespmem:v31+s14+$0x0], $0xffff;
	v11 =	vmovc v33  }
0x198: {  	v29 =	vmin.f32 v24, $1.000000000e+02;
	v27 =	vmin.f32 v27, $1.000000000e+02;
	v24 =	vld [tilespmem:s23+$0xFFFFFFA0];
	v22 =	vmax.f32 v22, $0.0e+00;
	[tilespmem:s24+$0xFFFFFFD0] =	vst v25;
	s24 =	smov.u32 s22  }
.Ltmp10:
0x199: {  	v34 =	vtrunc.f32 v29;
	v27 =	vtrunc.f32 v27;
	v22 =	vmin.f32 v22, $1.000000000e+02;
	v25 =	vld.idx.msk [tilespmem:v32+s16+$0x0], $0xffff;
	(pc) =	sbr.rel @p0 .LBB2_22-.Ltmp10, $4  }
0x19a: {  	v30 =	vadd.s32 v35, v1;
	v32 =	vmul.f32 $9.899999610e+00, v19;
	v40 =	vtrunc.f32 v22;
	v29 =	vld.idx.msk [tilespmem:v28+s14+$0x0], $0xffff  }
0x19b: {  	v33 =	vadd.s32 v18, v1;
	v41 =	vmul.f32 $9.899999610e+00, v11;
	v35 =	vcvt.f32.s32 v27;
	v22 =	vld.idx.msk [tilespmem:v31+s16+$0x0], $0xffff  }
0x19c: {  	v36 =	vmul.f32 $9.899999610e+00, v15;
	v18 =	vcvt.f32.s32 v34;
	v37 =	vadd.f32 $5.050000000e+01, v32;
	v31 =	vld.idx.msk [tilespmem:v39+s14+$0x0], $0xffff  }
0x19d: {  	v38 =	vmul.f32 $9.899999610e+00, v14;
	v34 =	vadd.f32 $5.050000000e+01, v41;
	v32 =	vcvt.f32.s32 v40;
	v27 =	vld.idx.msk [tilespmem:v39+s16+$0x0], $0xffff  }
0x19e: {  	_ =	sdelay $0x1  }
0x19f: {  	v39 =	vmul.f32 $9.899999610e+00, v24  }
0x1a0: {  	v35 =	vadd.s32 v35, v1;
	v37 =	vmax.f32 v37, $0.0e+00;
	v36 =	vadd.f32 $5.050000000e+01, v36  }
0x1a1: {  	v28 =	vld.idx.msk [tilespmem:v28+s16+$0x0], $0xffff;
	v7 =	vmul.f32 v16, v7;
	v18 =	vadd.s32 v18, v1;
	v38 =	vadd.f32 $5.050000000e+01, v38  }
0x1a2: {  	v40 =	vld.idx.msk [tilespmem:v30+s16+$0x0], $0xffff;
	v37 =	vmin.f32 v37, $1.000000000e+02;
	v32 =	vadd.s32 v32, v1;
	v47 =	vmax.f32 v34, $0.0e+00  }
0x1a3: {  	v63 =	vld.idx.msk [tilespmem:v33+s14+$0x0], $0xffff;
	v39 =	vadd.f32 $5.050000000e+01, v39;
	v37 =	vtrunc.f32 v37;
	v36 =	vmax.f32 v36, $0.0e+00  }
0x1a4: {  	v45 =	vld.idx.msk [tilespmem:v30+s14+$0x0], $0xffff;
	v16 =	vmin.f32 v47, $1.000000000e+02;
	v38 =	vmax.f32 v38, $0.0e+00;
	v37 =	vcvt.f32.s32 v37  }
0x1a5: {  	v41 =	vld.idx.msk [tilespmem:v33+s16+$0x0], $0xffff;
	v36 =	vmin.f32 v36, $1.000000000e+02;
	v16 =	vtrunc.f32 v16;
	v39 =	vmax.f32 v39, $0.0e+00  }
0x1a6: {  	v38 =	vmin.f32 v38, $1.000000000e+02;
	v16 =	vcvt.f32.s32 v16;
	v42 =	vld.idx.msk [tilespmem:v35+s14+$0x0], $0xffff;
	v37 =	vadd.s32 v37, v1  }
0x1a7: {  	v36 =	vtrunc.f32 v36;
	v39 =	vmin.f32 v39, $1.000000000e+02;
	v38 =	vtrunc.f32 v38;
	v35 =	vld.idx.msk [tilespmem:v35+s16+$0x0], $0xffff  }
0x1a8: {  	v36 =	vcvt.f32.s32 v36;
	v3 =	vmul.f32 v63, v3;
	v57 =	vld.idx.msk [tilespmem:v18+s14+$0x0], $0xffff;
	v53 =	vadd.s32 v16, v1  }
0x1a9: {  	v4 =	vmul.f32 v45, v4;
	v58 =	vld.idx.msk [tilespmem:v18+s16+$0x0], $0xffff;
	v39 =	vtrunc.f32 v39  }
0x1aa: {  	v38 =	vcvt.f32.s32 v38;
	v50 =	vld.idx.msk [tilespmem:v32+s14+$0x0], $0xffff;
	v36 =	vadd.s32 v36, v1;
	v3 =	vadd.f32 v41, v3  }
0x1ab: {  	v6 =	vmul.f32 v23, v6;
	v39 =	vcvt.f32.s32 v39;
	v49 =	vld.idx.msk [tilespmem:v37+s14+$0x0], $0xffff  }
0x1ac: {  	v38 =	vadd.s32 v38, v1;
	[tilespmem:s24+$0xFFFFFF90] =	vst v3;
	v3 =	vadd.f32 v40, v4;
	v51 =	vld.idx.msk [tilespmem:v37+s16+$0x0], $0xffff  }
0x1ad: {  	v10 =	vmul.f32 v26, v10;
	v7 =	vadd.f32 v17, v7;
	v39 =	vadd.s32 v39, v1;
	v60 =	vld.idx.msk [tilespmem:v53+s14+$0x0], $0xffff  }
0x1ae: {  	v2 =	vmul.f32 v20, v2;
	v6 =	vadd.f32 v21, v6;
	[tilespmem:s24+$0xFFFFFFD0] =	vst v3;
	v3 =	vld.idx.msk [tilespmem:v32+s16+$0x0], $0xffff  }
0x1af: {  	v10 =	vadd.f32 v25, v10;
	v9 =	vmul.f32 v31, v9;
	[tilespmem:s24+$0x0] =	vst v7;
	v54 =	vld.idx.msk [tilespmem:v36+s14+$0x0], $0xffff  }
0x1b0: {  	v8 =	vmul.f32 v29, v8;
	v2 =	vadd.f32 v22, v2;
	[tilespmem:s24+$0xFFFFFFA0] =	vst v6;
	v55 =	vld.idx.msk [tilespmem:v36+s16+$0x0], $0xffff  }
0x1b1: {  	[tilespmem:s24+$0xFFFFFFE0] =	vst v10;
	v9 =	vadd.f32 v27, v9;
	v12 =	vmul.f32 v42, v12;
	v52 =	vld.idx.msk [tilespmem:v38+s14+$0x0], $0xffff  }
0x1b2: {  	[tilespmem:s24+$0xFFFFFFF0] =	vst v2;
	v8 =	vadd.f32 v28, v8;
	v5 =	vmul.f32 v57, v5;
	v46 =	vld.idx.msk [tilespmem:v39+s14+$0x0], $0xffff  }
0x1b3: {  	[tilespmem:s24+$0xFFFFFFC0] =	vst v9;
	v62 =	vmul.f32 v50, v13;
	v12 =	vadd.f32 v35, v12;
	v56 =	vld.idx.msk [tilespmem:v38+s16+$0x0], $0xffff  }
0x1b4: {  	s23 =	sadd.s32 $0x100, s22;
	[tilespmem:s24+$0xFFFFFFB0] =	vst v8;
	v4 =	vadd.f32 v58, v5;
	v48 =	vld.idx.msk [tilespmem:v39+s16+$0x0], $0xffff;
	v2 =	vmul.f32 v49, v19  }
0x1b5: {  	v6 =	vld.idx.msk [tilespmem:v53+s16+$0x0], $0xffff;
	[tilespmem:s23+$0x0] =	vst v12;
	v3 =	vadd.f32 v3, v62;
	v15 =	vmul.f32 v54, v15  }
0x1b6: {  	[tilespmem:s23+$0xFFFFFF90] =	vst v4;
	v2 =	vadd.f32 v51, v2;
	v7 =	vmul.f32 v52, v14  }
0x1b7: {  	[tilespmem:s23+$0xFFFFFFF0] =	vst v3;
	v59 =	vmul.f32 v46, v24;
	v10 =	vadd.f32 v55, v15  }
0x1b8: {  	v63 =	vmul.f32 v60, v11;
	[tilespmem:s23+$0xFFFFFFE0] =	vst v2;
	v2 =	vadd.f32 v56, v7  }
0x1b9: {  	v61 =	vadd.f32 v48, v59;
	[tilespmem:s23+$0xFFFFFFC0] =	vst v10  }
0x1ba: {  	[tilespmem:s23+$0xFFFFFFB0] =	vst v2;
	v2 =	vadd.f32 v6, v63  }
0x1bb: {  	s22 =	simm.s32 $0x4080;
	[tilespmem:s23+$0xFFFFFFA0] =	vst v61  }
0x1bc: {  	s25 =	sadd.s32 $0x0, s12;
	s24 =	simm.s32 $0x4180;
	[tilespmem:s23+$0xFFFFFFD0] =	vst v2;
	s23 =	simm.s32 $0x80  }
.LBB2_24:
0x1bd: {  	[hbm4b:s25+s2] =	stream.linear.scatter [tilespmem:s22], [sflag:$0x4], $0x80, $0x38;
	[tilespmem:$0xC000] =	vst v63  }
0x1be: {  	s25 =	smov.u32 s23;
	s22 =	smov.u32 s24;
	p0 =	sne.s32 s23, $0x1F80  }
.Ltmp11:
0x1bf: {  	s23 =	sadd.s32 $0x80, s23;
	(pc) =	sbr.rel @p0 .LBB2_24-.Ltmp11, $2  }
0x1c0: {  	_ =	sdelay $0x2  }
0x1c1: {  	s24 =	sadd.s32 $0x100, s24;
	s25 =	sadd.s32 s25, s12  }
0x1c2: {  	[hbm4b:s25+s2] =	stream.linear.scatter [tilespmem:s22], [sflag:$0x4], $0x80, $0x38;
	[tilespmem:$0xC000] =	vst v63  }
0x1c3: {  	s21 =	sadd.s32 $0x1, s21  }
0x1c4: {  	_ =	swait.ge [sflag:s19], $0x2000;
	p0 =	sne.s32 s21, s13  }
.Ltmp12:
0x1c5: {  	[sflag:s19] =	ssyncset.done $0x0;
	(pc) =	sbr.rel @p0 .LBB2_1-.Ltmp12, $4  }
0x1c6: {  	[sflag:s19] =	ssyncadd.s32 $0xFFFFE000  }
0x1c7: {  	_ =	swait.ge [sflag:s20], $0x2000  }
0x1c8: {  	[sflag:s20] =	ssyncset.done $0x0  }
0x1c9: {  	[sflag:s20] =	ssyncadd.s32 $0xFFFFE000  }
0x1ca: {  	_ =	sfence.sel $0x180000  }
0x1cb: {  	[bflag:$0x0] =	sbarrier.arrive $0xFFFF  }
0x1cc: {  	p0 =	sne.s32 s1, $0x0;
	_ =	strace $0x90000047  }
0x1cd: {  	s0 =	sadd.s32 @!p0 $0x100000, s0;
	[bflag:$0x2] =	sbarrier.arrive $0xFFFF  }
0x1ce: {  	[sflag:s0] =	ssyncadd.tile.s32 @!p0 $0x1;
	_ =	shalt  }
.Lfunc_end2:
_tile_overlayer_lowered:
.L_overlay_start_2:
0x1cf: {  	(tag) =	ssettag $0x2  }
0x1d0: {  	s0 =	rddreg [dreg:$0x0];
	s2 =	stileid.u32  }
0x1d1: {  	s1 =	rddreg [dreg:$0x1];
	p0 =	sne.s32 s2, $0x0  }
0x1d2: {  	s3 =	rddreg [dreg:$0x2];
	[bflag:$0x3] =	sbarrier.arrive $0xFFFF;
	s2 =	simm.s32 @!p0 $0x1C05  }
0x1d3: {  	[timem:s3], [sflag:s2] =	dma.local @!p0 [hbm:s0], s1  }
0x1d4: {  	s0 =	simm.s32 @!p0 $0x5  }
0x1d5: {  	_ =	swait.ge @!p0 [sflag:s0], s1  }
0x1d6: {  	s1 =	ssub.s32 @!p0 $0x0, s1;
	[sflag:s0] =	ssyncset.done @!p0 $0x0  }
0x1d7: {  	[sflag:s0] =	ssyncadd.s32 @!p0 s1  }
0x1d8: {  	[bflag:$0x3] =	sbarrier.arrive $0xFFFF  }
0x1d9: {  	_ =	shalt  }

</sc_bundles>
